<compile_context>
chip_gen: v7x
topology: tpu7x:2x2x1
jax: 0.10.2.dev20260603
libtpu: 0.0.44.dev20260713+nightly
codegen_flags: <defaults>
</compile_context>

<pallas_src>
import functools

import jax
import jax.numpy as jnp
from jax import lax
from jax.experimental import pallas as pl
from jax.experimental.pallas import tpu as pltpu
from jax.experimental.pallas import tpu_sc as plsc

_DW = 128
_B = 4096 * 200
_NW = 32
_B_PER_W = _B // _NW
_CHUNK = 200
_T = _B_PER_W // _CHUNK
_NBUF = 4
_LAG = 2

_mesh = plsc.VectorSubcoreMesh(core_axis_name="c", subcore_axis_name="s")


@functools.partial(
    pl.kernel,
    mesh=_mesh,
    out_type=jax.ShapeDtypeStruct((_B, _DW), jnp.float32),
    scratch_types=(
        [pltpu.VMEM((_CHUNK,), jnp.int32) for _ in range(_NBUF)]
        + [pltpu.VMEM((_CHUNK, _DW), jnp.float32) for _ in range(_NBUF)]
        + [pltpu.SemaphoreType.DMA((_NBUF,)) for _ in range(3)]
    ),
    compiler_params=pltpu.CompilerParams(use_tc_tiling_on_sc=False),
)
def _gather_rows(idx_hbm, table_hbm, out_hbm,
                 i0, i1, i2, i3, r0, r1, r2, r3,
                 sem_i, sem_g, sem_o):
    wid = lax.axis_index("s") * 2 + lax.axis_index("c")
    base = wid * _B_PER_W
    idx_v = (i0, i1, i2, i3)
    rows_v = (r0, r1, r2, r3)

    def idx_copy(t, b):
        off = pl.multiple_of(base + t * _CHUNK, _CHUNK)
        return pltpu.make_async_copy(
            idx_hbm.at[pl.ds(off, _CHUNK)], idx_v[b], sem_i.at[b])

    def out_copy(t, b):
        off = pl.multiple_of(base + t * _CHUNK, _CHUNK)
        return pltpu.make_async_copy(
            rows_v[b].at[:, pl.ds(0, 64)],
            out_hbm.at[pl.ds(off, _CHUNK), pl.ds(0, 64)], sem_o.at[b])

    def gather(b):
        return pltpu.make_async_copy(
            table_hbm.at[idx_v[b]], rows_v[b], sem_g.at[b])

    for b in range(_NBUF):
        idx_copy(b, b).start()

    def body(i, carry):
        for b in range(_NBUF):
            t = _NBUF * i + b
            idx_copy(t, b).wait()

            @pl.when(i >= 1)
            def _(t=t, b=b):
                out_copy(t - _NBUF, b).wait()

            gather(b).start()

            td = t - _LAG
            b2 = (b + _NBUF - _LAG) % _NBUF
            if b < _LAG:
                @pl.when(i >= 1)
                def _(td=td, b2=b2):
                    gather(b2).wait()
                    out_copy(td, b2).start()
                    idx_copy(td + _NBUF, b2).start()
            else:
                gather(b2).wait()
                out_copy(td, b2).start()

                @pl.when(i < _T // _NBUF - 1)
                def _(td=td, b2=b2):
                    idx_copy(td + _NBUF, b2).start()
        return carry

    lax.fori_loop(0, _T // _NBUF, body, 0)

    for t in range(_T - _LAG, _T):
        b = t % _NBUF
        gather(b).wait()
        out_copy(t, b).start()
    for t in range(_T - _NBUF, _T):
        out_copy(t, t % _NBUF).wait()


def kernel(x, weight):
    idx = x.reshape(-1).astype(jnp.int32)
    wide = jnp.concatenate(
        [weight, jnp.zeros((weight.shape[0], _DW - weight.shape[1]),
                           weight.dtype)], axis=1)
    out = _gather_rows(idx, wide)
    return out[:, : weight.shape[1]].reshape(x.shape + (weight.shape[1],))

# --- scband reference (transcript-rebuilt; emitter-appended) ---
"""Pipeline reference for scband-word-embedding-66967130079457 (READ-ONLY COPY).

The authoritative reference and input builder live on the scoring server;
editing this copy changes nothing except your own understanding.
"""

import jax, jax.numpy as jnp
import numpy as np

VOCAB = 1000000
EMBED_DIM = 64
BATCH = 4096
HIST = 200

def setup_inputs(seed: int = 0) -> dict:
    key = jax.random.key(seed)
    k1, k2 = jax.random.split(key)
    # Embedding table (learned parameter). padding_idx=0 row is zero-initialized in torch.
    weight = jax.random.normal(k1, (VOCAB, EMBED_DIM), dtype=jnp.float32) * 0.02
    weight = weight.at[0].set(0.0)
    x = jax.random.randint(k2, (BATCH, HIST), 0, VOCAB, dtype=jnp.int64)
    return {"x": x, "weight": weight}

def reference(x, weight):
    # nn.Embedding forward: pure row gather from the table.
    return jnp.take(weight, x, axis=0)

if __name__ == "__main__":
    import jax
    _d = setup_inputs()
    print(jax.jit(kernel)(*tuple(_d.values())))

</pallas_src>

<mosaic_0001>
#map = affine_map<(d0, d1) -> (0)>
#map1 = affine_map<(d0, d1) -> (0, 0)>
module attributes {stable_mosaic.version = 14 : i64} {
  func.func @_gather_rows(%arg0: i32, %arg1: i32, %arg2: memref<819200xi32, #tpu.memory_space<hbm>>, %arg3: memref<1000000x128xf32, #tpu.memory_space<hbm>>, %arg4: memref<819200x128xf32, #tpu.memory_space<hbm>>, %arg5: memref<200xi32, #tpu.memory_space<vmem>>, %arg6: memref<200xi32, #tpu.memory_space<vmem>>, %arg7: memref<200xi32, #tpu.memory_space<vmem>>, %arg8: memref<200xi32, #tpu.memory_space<vmem>>, %arg9: memref<200x128xf32, #tpu.memory_space<vmem>>, %arg10: memref<200x128xf32, #tpu.memory_space<vmem>>, %arg11: memref<200x128xf32, #tpu.memory_space<vmem>>, %arg12: memref<200x128xf32, #tpu.memory_space<vmem>>, %arg13: memref<4x!tpu.dma_semaphore, #tpu.memory_space<semaphore_mem>>, %arg14: memref<4x!tpu.dma_semaphore, #tpu.memory_space<semaphore_mem>>, %arg15: memref<4x!tpu.dma_semaphore, #tpu.memory_space<semaphore_mem>>) attributes {dimension_semantics = [#tpu.dimension_semantics<core_parallel>, #tpu.dimension_semantics<subcore_parallel>], iteration_bounds = array<i64: 2, 16>, scalar_prefetch = 0 : i64, scratch_operands = 11 : i64, tpu.core_type = #tpu.core_type<sc_vector_subcore>, window_params = [{transform_indices = #map}, {transform_indices = #map1}, {transform_indices = #map1}]} {
    %mul3A = arith.constant 2 : i32
    %mul3A_0 = arith.muli %arg1, %mul3A : i32
    %add3A = arith.addi %mul3A_0, %arg0 : i32
    %mul3A_1 = arith.constant 25600 : i32
    %mul3A_2 = arith.muli %add3A, %mul3A_1 : i32
    %add3A_3 = arith.constant 0 : i32
    %add3A_4 = arith.addi %mul3A_2, %add3A_3 : i32
    %multiple_of3A = tpu.assume_multiple %add3A_4, 200 : i32
    %dma_start3A = arith.constant 0 : i32
    %dma_start3A_5 = tpu.memref_slice %arg2[%multiple_of3A] : memref<819200xi32, #tpu.memory_space<hbm>> -> memref<200xi32, #tpu.memory_space<hbm>>
    %dma_start3A_6 = tpu.memref_slice %arg13[%dma_start3A] : memref<4x!tpu.dma_semaphore, #tpu.memory_space<semaphore_mem>> -> memref<1x!tpu.dma_semaphore, #tpu.memory_space<semaphore_mem>>
    %dma_start3A_7 = tpu.memref_squeeze %dma_start3A_6 : memref<1x!tpu.dma_semaphore, #tpu.memory_space<semaphore_mem>> -> memref<!tpu.dma_semaphore, #tpu.memory_space<semaphore_mem>>
    %dma_start3A_8 = tpu.memref_slice %arg2[%multiple_of3A] : memref<819200xi32, #tpu.memory_space<hbm>> -> memref<200xi32, #tpu.memory_space<hbm>>
    tpu.enqueue_dma source(%dma_start3A_8 : memref<200xi32, #tpu.memory_space<hbm>>) target(%arg5 : memref<200xi32, #tpu.memory_space<vmem>>) target_semaphore(%dma_start3A_7 : memref<!tpu.dma_semaphore, #tpu.memory_space<semaphore_mem>>)
    %add3A_9 = arith.constant 200 : i32
    %add3A_10 = arith.addi %mul3A_2, %add3A_9 : i32
    %multiple_of3A_11 = tpu.assume_multiple %add3A_10, 200 : i32
    %dma_start3A_12 = arith.constant 1 : i32
    %dma_start3A_13 = tpu.memref_slice %arg2[%multiple_of3A_11] : memref<819200xi32, #tpu.memory_space<hbm>> -> memref<200xi32, #tpu.memory_space<hbm>>
    %dma_start3A_14 = tpu.memref_slice %arg13[%dma_start3A_12] : memref<4x!tpu.dma_semaphore, #tpu.memory_space<semaphore_mem>> -> memref<1x!tpu.dma_semaphore, #tpu.memory_space<semaphore_mem>>
    %dma_start3A_15 = tpu.memref_squeeze %dma_start3A_14 : memref<1x!tpu.dma_semaphore, #tpu.memory_space<semaphore_mem>> -> memref<!tpu.dma_semaphore, #tpu.memory_space<semaphore_mem>>
    %dma_start3A_16 = tpu.memref_slice %arg2[%multiple_of3A_11] : memref<819200xi32, #tpu.memory_space<hbm>> -> memref<200xi32, #tpu.memory_space<hbm>>
    tpu.enqueue_dma source(%dma_start3A_16 : memref<200xi32, #tpu.memory_space<hbm>>) target(%arg6 : memref<200xi32, #tpu.memory_space<vmem>>) target_semaphore(%dma_start3A_15 : memref<!tpu.dma_semaphore, #tpu.memory_space<semaphore_mem>>)
    %add3A_17 = arith.constant 400 : i32
    %add3A_18 = arith.addi %mul3A_2, %add3A_17 : i32
    %multiple_of3A_19 = tpu.assume_multiple %add3A_18, 200 : i32
    %dma_start3A_20 = arith.constant 2 : i32
    %dma_start3A_21 = tpu.memref_slice %arg2[%multiple_of3A_19] : memref<819200xi32, #tpu.memory_space<hbm>> -> memref<200xi32, #tpu.memory_space<hbm>>
    %dma_start3A_22 = tpu.memref_slice %arg13[%dma_start3A_20] : memref<4x!tpu.dma_semaphore, #tpu.memory_space<semaphore_mem>> -> memref<1x!tpu.dma_semaphore, #tpu.memory_space<semaphore_mem>>
    %dma_start3A_23 = tpu.memref_squeeze %dma_start3A_22 : memref<1x!tpu.dma_semaphore, #tpu.memory_space<semaphore_mem>> -> memref<!tpu.dma_semaphore, #tpu.memory_space<semaphore_mem>>
    %dma_start3A_24 = tpu.memref_slice %arg2[%multiple_of3A_19] : memref<819200xi32, #tpu.memory_space<hbm>> -> memref<200xi32, #tpu.memory_space<hbm>>
    tpu.enqueue_dma source(%dma_start3A_24 : memref<200xi32, #tpu.memory_space<hbm>>) target(%arg7 : memref<200xi32, #tpu.memory_space<vmem>>) target_semaphore(%dma_start3A_23 : memref<!tpu.dma_semaphore, #tpu.memory_space<semaphore_mem>>)
    %add3A_25 = arith.constant 600 : i32
    %add3A_26 = arith.addi %mul3A_2, %add3A_25 : i32
    %multiple_of3A_27 = tpu.assume_multiple %add3A_26, 200 : i32
    %dma_start3A_28 = arith.constant 3 : i32
    %dma_start3A_29 = tpu.memref_slice %arg2[%multiple_of3A_27] : memref<819200xi32, #tpu.memory_space<hbm>> -> memref<200xi32, #tpu.memory_space<hbm>>
    %dma_start3A_30 = tpu.memref_slice %arg13[%dma_start3A_28] : memref<4x!tpu.dma_semaphore, #tpu.memory_space<semaphore_mem>> -> memref<1x!tpu.dma_semaphore, #tpu.memory_space<semaphore_mem>>
    %dma_start3A_31 = tpu.memref_squeeze %dma_start3A_30 : memref<1x!tpu.dma_semaphore, #tpu.memory_space<semaphore_mem>> -> memref<!tpu.dma_semaphore, #tpu.memory_space<semaphore_mem>>
    %dma_start3A_32 = tpu.memref_slice %arg2[%multiple_of3A_27] : memref<819200xi32, #tpu.memory_space<hbm>> -> memref<200xi32, #tpu.memory_space<hbm>>
    tpu.enqueue_dma source(%dma_start3A_32 : memref<200xi32, #tpu.memory_space<hbm>>) target(%arg8 : memref<200xi32, #tpu.memory_space<vmem>>) target_semaphore(%dma_start3A_31 : memref<!tpu.dma_semaphore, #tpu.memory_space<semaphore_mem>>)
    %scan3A = arith.constant 0 : i32
    %scan3A_33 = arith.constant 0 : i32
    %scan3A_34 = arith.constant 32 : i32
    %scan3A_35 = arith.addi %scan3A_33, %scan3A_34 : i32
    %scan3A_36 = arith.constant 1 : i32
    scf.for %scan3A_145 = %scan3A_33 to %scan3A_35 step %scan3A_36  : i32 {
      %mul3A_146 = arith.constant 4 : i32
      %mul3A_147 = arith.muli %mul3A_146, %scan3A_145 : i32
      %add3A_148 = arith.constant 0 : i32
      %add3A_149 = arith.addi %mul3A_147, %add3A_148 : i32
      %mul3A_150 = arith.constant 200 : i32
      %mul3A_151 = arith.muli %add3A_149, %mul3A_150 : i32
      %add3A_152 = arith.addi %mul3A_2, %mul3A_151 : i32
      %multiple_of3A_153 = tpu.assume_multiple %add3A_152, 200 : i32
      %dma_wait3A_154 = arith.constant 0 : i32
      %dma_wait3A_155 = tpu.memref_slice %arg2[%multiple_of3A_153] : memref<819200xi32, #tpu.memory_space<hbm>> -> memref<200xi32, #tpu.memory_space<hbm>>
      %dma_wait3A_156 = tpu.memref_slice %arg13[%dma_wait3A_154] : memref<4x!tpu.dma_semaphore, #tpu.memory_space<semaphore_mem>> -> memref<1x!tpu.dma_semaphore, #tpu.memory_space<semaphore_mem>>
      %dma_wait3A_157 = tpu.memref_squeeze %dma_wait3A_156 : memref<1x!tpu.dma_semaphore, #tpu.memory_space<semaphore_mem>> -> memref<!tpu.dma_semaphore, #tpu.memory_space<semaphore_mem>>
      %dma_wait3A_158 = tpu.memref_slice %arg2[%multiple_of3A_153] : memref<819200xi32, #tpu.memory_space<hbm>> -> memref<200xi32, #tpu.memory_space<hbm>>
      tpu.wait_dma2 semaphore(%dma_wait3A_157 : memref<!tpu.dma_semaphore, #tpu.memory_space<semaphore_mem>>) src(%dma_wait3A_158 : memref<200xi32, #tpu.memory_space<hbm>>) dst(%arg5 : memref<200xi32, #tpu.memory_space<vmem>>)
      %ge3A = arith.constant 1 : i32
      %ge3A_159 = arith.cmpi sge, %scan3A_145, %ge3A : i32
      %convert_element_type3A = arith.extui %ge3A_159 : i1 to i32
      %cond3A = arith.constant 0 : i32
      %cond3A_160 = arith.cmpi ne, %convert_element_type3A, %cond3A : i32
      scf.if %cond3A_160 {
        %sub3A_311 = arith.constant 4 : i32
        %sub3A_312 = arith.subi %add3A_149, %sub3A_311 : i32
        %mul3A_313 = arith.constant 200 : i32
        %mul3A_314 = arith.muli %sub3A_312, %mul3A_313 : i32
        %add3A_315 = arith.addi %mul3A_2, %mul3A_314 : i32
        %multiple_of3A_316 = tpu.assume_multiple %add3A_315, 200 : i32
        %dma_wait3A_317 = arith.constant 0 : i32
        %dma_wait3A_318 = arith.constant 0 : i32
        %dma_wait3A_319 = arith.constant 0 : i32
        %dma_wait3A_320 = tpu.memref_slice %arg9[%dma_wait3A_318, %dma_wait3A_319] : memref<200x128xf32, #tpu.memory_space<vmem>> -> memref<200x64xf32, #tpu.memory_space<vmem>>
        %dma_wait3A_321 = arith.constant 0 : i32
        %dma_wait3A_322 = tpu.memref_slice %arg4[%multiple_of3A_316, %dma_wait3A_321] : memref<819200x128xf32, #tpu.memory_space<hbm>> -> memref<200x64xf32, #tpu.memory_space<hbm>>
        %dma_wait3A_323 = tpu.memref_slice %arg15[%dma_wait3A_317] : memref<4x!tpu.dma_semaphore, #tpu.memory_space<semaphore_mem>> -> memref<1x!tpu.dma_semaphore, #tpu.memory_space<semaphore_mem>>
        %dma_wait3A_324 = tpu.memref_squeeze %dma_wait3A_323 : memref<1x!tpu.dma_semaphore, #tpu.memory_space<semaphore_mem>> -> memref<!tpu.dma_semaphore, #tpu.memory_space<semaphore_mem>>
        %dma_wait3A_325 = arith.constant 0 : i32
        %dma_wait3A_326 = tpu.memref_slice %arg4[%multiple_of3A_316, %dma_wait3A_325] : memref<819200x128xf32, #tpu.memory_space<hbm>> -> memref<200x64xf32, #tpu.memory_space<hbm>>
        %dma_wait3A_327 = arith.constant 0 : i32
        %dma_wait3A_328 = arith.constant 0 : i32
        %dma_wait3A_329 = tpu.memref_slice %arg9[%dma_wait3A_327, %dma_wait3A_328] : memref<200x128xf32, #tpu.memory_space<vmem>> -> memref<200x64xf32, #tpu.memory_space<vmem>>
        tpu.wait_dma2 semaphore(%dma_wait3A_324 : memref<!tpu.dma_semaphore, #tpu.memory_space<semaphore_mem>>) src(%dma_wait3A_329 : memref<200x64xf32, #tpu.memory_space<vmem>>) dst(%dma_wait3A_326 : memref<200x64xf32, #tpu.memory_space<hbm>>)
      } else {
      }
      %dma_start3A_161 = arith.constant 0 : i32
      %dma_start3A_162 = arith.constant 0 : i32
      %dma_start3A_163 = arith.constant 0 : i32
      %dma_start3A_164 = tpu.memref_slice %arg3[%dma_start3A_162, %dma_start3A_163] : memref<1000000x128xf32, #tpu.memory_space<hbm>> -> memref<1000000x128xf32, #tpu.memory_space<hbm>>
      %dma_start3A_165 = tpu.memref_slice %arg14[%dma_start3A_161] : memref<4x!tpu.dma_semaphore, #tpu.memory_space<semaphore_mem>> -> memref<1x!tpu.dma_semaphore, #tpu.memory_space<semaphore_mem>>
      %dma_start3A_166 = tpu.memref_squeeze %dma_start3A_165 : memref<1x!tpu.dma_semaphore, #tpu.memory_space<semaphore_mem>> -> memref<!tpu.dma_semaphore, #tpu.memory_space<semaphore_mem>>
      tpu.enqueue_indirect_dma source(%dma_start3A_164 : memref<1000000x128xf32, #tpu.memory_space<hbm>>) target(%arg9 : memref<200x128xf32, #tpu.memory_space<vmem>>) offsets(%arg5 : memref<200xi32, #tpu.memory_space<vmem>>) semaphore(%dma_start3A_166 : memref<!tpu.dma_semaphore, #tpu.memory_space<semaphore_mem>>)
      %sub3A = arith.constant 2 : i32
      %sub3A_167 = arith.subi %add3A_149, %sub3A : i32
      %ge3A_168 = arith.constant 1 : i32
      %ge3A_169 = arith.cmpi sge, %scan3A_145, %ge3A_168 : i32
      %convert_element_type3A_170 = arith.extui %ge3A_169 : i1 to i32
      %cond3A_171 = arith.constant 0 : i32
      %cond3A_172 = arith.cmpi ne, %convert_element_type3A_170, %cond3A_171 : i32
      scf.if %cond3A_172 {
        %dma_wait3A_311 = arith.constant 2 : i32
        %dma_wait3A_312 = arith.constant 0 : i32
        %dma_wait3A_313 = arith.constant 0 : i32
        %dma_wait3A_314 = tpu.memref_slice %arg3[%dma_wait3A_312, %dma_wait3A_313] : memref<1000000x128xf32, #tpu.memory_space<hbm>> -> memref<1000000x128xf32, #tpu.memory_space<hbm>>
        %dma_wait3A_315 = tpu.memref_slice %arg14[%dma_wait3A_311] : memref<4x!tpu.dma_semaphore, #tpu.memory_space<semaphore_mem>> -> memref<1x!tpu.dma_semaphore, #tpu.memory_space<semaphore_mem>>
        %dma_wait3A_316 = tpu.memref_squeeze %dma_wait3A_315 : memref<1x!tpu.dma_semaphore, #tpu.memory_space<semaphore_mem>> -> memref<!tpu.dma_semaphore, #tpu.memory_space<semaphore_mem>>
        tpu.wait_indirect_dma semaphore(%dma_wait3A_316 : memref<!tpu.dma_semaphore, #tpu.memory_space<semaphore_mem>>) src(%dma_wait3A_314 : memref<1000000x128xf32, #tpu.memory_space<hbm>>) dst(%arg11 : memref<200x128xf32, #tpu.memory_space<vmem>>)
        %mul3A_317 = arith.constant 200 : i32
        %mul3A_318 = arith.muli %sub3A_167, %mul3A_317 : i32
        %add3A_319 = arith.addi %mul3A_2, %mul3A_318 : i32
        %multiple_of3A_320 = tpu.assume_multiple %add3A_319, 200 : i32
        %dma_start3A_321 = arith.constant 2 : i32
        %dma_start3A_322 = arith.constant 0 : i32
        %dma_start3A_323 = arith.constant 0 : i32
        %dma_start3A_324 = tpu.memref_slice %arg11[%dma_start3A_322, %dma_start3A_323] : memref<200x128xf32, #tpu.memory_space<vmem>> -> memref<200x64xf32, #tpu.memory_space<vmem>>
        %dma_start3A_325 = arith.constant 0 : i32
        %dma_start3A_326 = tpu.memref_slice %arg4[%multiple_of3A_320, %dma_start3A_325] : memref<819200x128xf32, #tpu.memory_space<hbm>> -> memref<200x64xf32, #tpu.memory_space<hbm>>
        %dma_start3A_327 = tpu.memref_slice %arg15[%dma_start3A_321] : memref<4x!tpu.dma_semaphore, #tpu.memory_space<semaphore_mem>> -> memref<1x!tpu.dma_semaphore, #tpu.memory_space<semaphore_mem>>
        %dma_start3A_328 = tpu.memref_squeeze %dma_start3A_327 : memref<1x!tpu.dma_semaphore, #tpu.memory_space<semaphore_mem>> -> memref<!tpu.dma_semaphore, #tpu.memory_space<semaphore_mem>>
        %dma_start3A_329 = arith.constant 0 : i32
        %dma_start3A_330 = tpu.memref_slice %arg4[%multiple_of3A_320, %dma_start3A_329] : memref<819200x128xf32, #tpu.memory_space<hbm>> -> memref<200x64xf32, #tpu.memory_space<hbm>>
        %dma_start3A_331 = arith.constant 0 : i32
        %dma_start3A_332 = arith.constant 0 : i32
        %dma_start3A_333 = tpu.memref_slice %arg11[%dma_start3A_331, %dma_start3A_332] : memref<200x128xf32, #tpu.memory_space<vmem>> -> memref<200x64xf32, #tpu.memory_space<vmem>>
        tpu.enqueue_dma source(%dma_start3A_333 : memref<200x64xf32, #tpu.memory_space<vmem>>) target(%dma_start3A_330 : memref<200x64xf32, #tpu.memory_space<hbm>>) target_semaphore(%dma_start3A_328 : memref<!tpu.dma_semaphore, #tpu.memory_space<semaphore_mem>>)
        %add3A_334 = arith.constant 4 : i32
        %add3A_335 = arith.addi %sub3A_167, %add3A_334 : i32
        %mul3A_336 = arith.constant 200 : i32
        %mul3A_337 = arith.muli %add3A_335, %mul3A_336 : i32
        %add3A_338 = arith.addi %mul3A_2, %mul3A_337 : i32
        %multiple_of3A_339 = tpu.assume_multiple %add3A_338, 200 : i32
        %dma_start3A_340 = arith.constant 2 : i32
        %dma_start3A_341 = tpu.memref_slice %arg2[%multiple_of3A_339] : memref<819200xi32, #tpu.memory_space<hbm>> -> memref<200xi32, #tpu.memory_space<hbm>>
        %dma_start3A_342 = tpu.memref_slice %arg13[%dma_start3A_340] : memref<4x!tpu.dma_semaphore, #tpu.memory_space<semaphore_mem>> -> memref<1x!tpu.dma_semaphore, #tpu.memory_space<semaphore_mem>>
        %dma_start3A_343 = tpu.memref_squeeze %dma_start3A_342 : memref<1x!tpu.dma_semaphore, #tpu.memory_space<semaphore_mem>> -> memref<!tpu.dma_semaphore, #tpu.memory_space<semaphore_mem>>
        %dma_start3A_344 = tpu.memref_slice %arg2[%multiple_of3A_339] : memref<819200xi32, #tpu.memory_space<hbm>> -> memref<200xi32, #tpu.memory_space<hbm>>
        tpu.enqueue_dma source(%dma_start3A_344 : memref<200xi32, #tpu.memory_space<hbm>>) target(%arg7 : memref<200xi32, #tpu.memory_space<vmem>>) target_semaphore(%dma_start3A_343 : memref<!tpu.dma_semaphore, #tpu.memory_space<semaphore_mem>>)
      } else {
      }
      %mul3A_173 = arith.constant 4 : i32
      %mul3A_174 = arith.muli %mul3A_173, %scan3A_145 : i32
      %add3A_175 = arith.constant 1 : i32
      %add3A_176 = arith.addi %mul3A_174, %add3A_175 : i32
      %mul3A_177 = arith.constant 200 : i32
      %mul3A_178 = arith.muli %add3A_176, %mul3A_177 : i32
      %add3A_179 = arith.addi %mul3A_2, %mul3A_178 : i32
      %multiple_of3A_180 = tpu.assume_multiple %add3A_179, 200 : i32
      %dma_wait3A_181 = arith.constant 1 : i32
      %dma_wait3A_182 = tpu.memref_slice %arg2[%multiple_of3A_180] : memref<819200xi32, #tpu.memory_space<hbm>> -> memref<200xi32, #tpu.memory_space<hbm>>
      %dma_wait3A_183 = tpu.memref_slice %arg13[%dma_wait3A_181] : memref<4x!tpu.dma_semaphore, #tpu.memory_space<semaphore_mem>> -> memref<1x!tpu.dma_semaphore, #tpu.memory_space<semaphore_mem>>
      %dma_wait3A_184 = tpu.memref_squeeze %dma_wait3A_183 : memref<1x!tpu.dma_semaphore, #tpu.memory_space<semaphore_mem>> -> memref<!tpu.dma_semaphore, #tpu.memory_space<semaphore_mem>>
      %dma_wait3A_185 = tpu.memref_slice %arg2[%multiple_of3A_180] : memref<819200xi32, #tpu.memory_space<hbm>> -> memref<200xi32, #tpu.memory_space<hbm>>
      tpu.wait_dma2 semaphore(%dma_wait3A_184 : memref<!tpu.dma_semaphore, #tpu.memory_space<semaphore_mem>>) src(%dma_wait3A_185 : memref<200xi32, #tpu.memory_space<hbm>>) dst(%arg6 : memref<200xi32, #tpu.memory_space<vmem>>)
      %ge3A_186 = arith.constant 1 : i32
      %ge3A_187 = arith.cmpi sge, %scan3A_145, %ge3A_186 : i32
      %convert_element_type3A_188 = arith.extui %ge3A_187 : i1 to i32
      %cond3A_189 = arith.constant 0 : i32
      %cond3A_190 = arith.cmpi ne, %convert_element_type3A_188, %cond3A_189 : i32
      scf.if %cond3A_190 {
        %sub3A_311 = arith.constant 4 : i32
        %sub3A_312 = arith.subi %add3A_176, %sub3A_311 : i32
        %mul3A_313 = arith.constant 200 : i32
        %mul3A_314 = arith.muli %sub3A_312, %mul3A_313 : i32
        %add3A_315 = arith.addi %mul3A_2, %mul3A_314 : i32
        %multiple_of3A_316 = tpu.assume_multiple %add3A_315, 200 : i32
        %dma_wait3A_317 = arith.constant 1 : i32
        %dma_wait3A_318 = arith.constant 0 : i32
        %dma_wait3A_319 = arith.constant 0 : i32
        %dma_wait3A_320 = tpu.memref_slice %arg10[%dma_wait3A_318, %dma_wait3A_319] : memref<200x128xf32, #tpu.memory_space<vmem>> -> memref<200x64xf32, #tpu.memory_space<vmem>>
        %dma_wait3A_321 = arith.constant 0 : i32
        %dma_wait3A_322 = tpu.memref_slice %arg4[%multiple_of3A_316, %dma_wait3A_321] : memref<819200x128xf32, #tpu.memory_space<hbm>> -> memref<200x64xf32, #tpu.memory_space<hbm>>
        %dma_wait3A_323 = tpu.memref_slice %arg15[%dma_wait3A_317] : memref<4x!tpu.dma_semaphore, #tpu.memory_space<semaphore_mem>> -> memref<1x!tpu.dma_semaphore, #tpu.memory_space<semaphore_mem>>
        %dma_wait3A_324 = tpu.memref_squeeze %dma_wait3A_323 : memref<1x!tpu.dma_semaphore, #tpu.memory_space<semaphore_mem>> -> memref<!tpu.dma_semaphore, #tpu.memory_space<semaphore_mem>>
        %dma_wait3A_325 = arith.constant 0 : i32
        %dma_wait3A_326 = tpu.memref_slice %arg4[%multiple_of3A_316, %dma_wait3A_325] : memref<819200x128xf32, #tpu.memory_space<hbm>> -> memref<200x64xf32, #tpu.memory_space<hbm>>
        %dma_wait3A_327 = arith.constant 0 : i32
        %dma_wait3A_328 = arith.constant 0 : i32
        %dma_wait3A_329 = tpu.memref_slice %arg10[%dma_wait3A_327, %dma_wait3A_328] : memref<200x128xf32, #tpu.memory_space<vmem>> -> memref<200x64xf32, #tpu.memory_space<vmem>>
        tpu.wait_dma2 semaphore(%dma_wait3A_324 : memref<!tpu.dma_semaphore, #tpu.memory_space<semaphore_mem>>) src(%dma_wait3A_329 : memref<200x64xf32, #tpu.memory_space<vmem>>) dst(%dma_wait3A_326 : memref<200x64xf32, #tpu.memory_space<hbm>>)
      } else {
      }
      %dma_start3A_191 = arith.constant 1 : i32
      %dma_start3A_192 = arith.constant 0 : i32
      %dma_start3A_193 = arith.constant 0 : i32
      %dma_start3A_194 = tpu.memref_slice %arg3[%dma_start3A_192, %dma_start3A_193] : memref<1000000x128xf32, #tpu.memory_space<hbm>> -> memref<1000000x128xf32, #tpu.memory_space<hbm>>
      %dma_start3A_195 = tpu.memref_slice %arg14[%dma_start3A_191] : memref<4x!tpu.dma_semaphore, #tpu.memory_space<semaphore_mem>> -> memref<1x!tpu.dma_semaphore, #tpu.memory_space<semaphore_mem>>
      %dma_start3A_196 = tpu.memref_squeeze %dma_start3A_195 : memref<1x!tpu.dma_semaphore, #tpu.memory_space<semaphore_mem>> -> memref<!tpu.dma_semaphore, #tpu.memory_space<semaphore_mem>>
      tpu.enqueue_indirect_dma source(%dma_start3A_194 : memref<1000000x128xf32, #tpu.memory_space<hbm>>) target(%arg10 : memref<200x128xf32, #tpu.memory_space<vmem>>) offsets(%arg6 : memref<200xi32, #tpu.memory_space<vmem>>) semaphore(%dma_start3A_196 : memref<!tpu.dma_semaphore, #tpu.memory_space<semaphore_mem>>)
      %sub3A_197 = arith.constant 2 : i32
      %sub3A_198 = arith.subi %add3A_176, %sub3A_197 : i32
      %ge3A_199 = arith.constant 1 : i32
      %ge3A_200 = arith.cmpi sge, %scan3A_145, %ge3A_199 : i32
      %convert_element_type3A_201 = arith.extui %ge3A_200 : i1 to i32
      %cond3A_202 = arith.constant 0 : i32
      %cond3A_203 = arith.cmpi ne, %convert_element_type3A_201, %cond3A_202 : i32
      scf.if %cond3A_203 {
        %dma_wait3A_311 = arith.constant 3 : i32
        %dma_wait3A_312 = arith.constant 0 : i32
        %dma_wait3A_313 = arith.constant 0 : i32
        %dma_wait3A_314 = tpu.memref_slice %arg3[%dma_wait3A_312, %dma_wait3A_313] : memref<1000000x128xf32, #tpu.memory_space<hbm>> -> memref<1000000x128xf32, #tpu.memory_space<hbm>>
        %dma_wait3A_315 = tpu.memref_slice %arg14[%dma_wait3A_311] : memref<4x!tpu.dma_semaphore, #tpu.memory_space<semaphore_mem>> -> memref<1x!tpu.dma_semaphore, #tpu.memory_space<semaphore_mem>>
        %dma_wait3A_316 = tpu.memref_squeeze %dma_wait3A_315 : memref<1x!tpu.dma_semaphore, #tpu.memory_space<semaphore_mem>> -> memref<!tpu.dma_semaphore, #tpu.memory_space<semaphore_mem>>
        tpu.wait_indirect_dma semaphore(%dma_wait3A_316 : memref<!tpu.dma_semaphore, #tpu.memory_space<semaphore_mem>>) src(%dma_wait3A_314 : memref<1000000x128xf32, #tpu.memory_space<hbm>>) dst(%arg12 : memref<200x128xf32, #tpu.memory_space<vmem>>)
        %mul3A_317 = arith.constant 200 : i32
        %mul3A_318 = arith.muli %sub3A_198, %mul3A_317 : i32
        %add3A_319 = arith.addi %mul3A_2, %mul3A_318 : i32
        %multiple_of3A_320 = tpu.assume_multiple %add3A_319, 200 : i32
        %dma_start3A_321 = arith.constant 3 : i32
        %dma_start3A_322 = arith.constant 0 : i32
        %dma_start3A_323 = arith.constant 0 : i32
        %dma_start3A_324 = tpu.memref_slice %arg12[%dma_start3A_322, %dma_start3A_323] : memref<200x128xf32, #tpu.memory_space<vmem>> -> memref<200x64xf32, #tpu.memory_space<vmem>>
        %dma_start3A_325 = arith.constant 0 : i32
        %dma_start3A_326 = tpu.memref_slice %arg4[%multiple_of3A_320, %dma_start3A_325] : memref<819200x128xf32, #tpu.memory_space<hbm>> -> memref<200x64xf32, #tpu.memory_space<hbm>>
        %dma_start3A_327 = tpu.memref_slice %arg15[%dma_start3A_321] : memref<4x!tpu.dma_semaphore, #tpu.memory_space<semaphore_mem>> -> memref<1x!tpu.dma_semaphore, #tpu.memory_space<semaphore_mem>>
        %dma_start3A_328 = tpu.memref_squeeze %dma_start3A_327 : memref<1x!tpu.dma_semaphore, #tpu.memory_space<semaphore_mem>> -> memref<!tpu.dma_semaphore, #tpu.memory_space<semaphore_mem>>
        %dma_start3A_329 = arith.constant 0 : i32
        %dma_start3A_330 = tpu.memref_slice %arg4[%multiple_of3A_320, %dma_start3A_329] : memref<819200x128xf32, #tpu.memory_space<hbm>> -> memref<200x64xf32, #tpu.memory_space<hbm>>
        %dma_start3A_331 = arith.constant 0 : i32
        %dma_start3A_332 = arith.constant 0 : i32
        %dma_start3A_333 = tpu.memref_slice %arg12[%dma_start3A_331, %dma_start3A_332] : memref<200x128xf32, #tpu.memory_space<vmem>> -> memref<200x64xf32, #tpu.memory_space<vmem>>
        tpu.enqueue_dma source(%dma_start3A_333 : memref<200x64xf32, #tpu.memory_space<vmem>>) target(%dma_start3A_330 : memref<200x64xf32, #tpu.memory_space<hbm>>) target_semaphore(%dma_start3A_328 : memref<!tpu.dma_semaphore, #tpu.memory_space<semaphore_mem>>)
        %add3A_334 = arith.constant 4 : i32
        %add3A_335 = arith.addi %sub3A_198, %add3A_334 : i32
        %mul3A_336 = arith.constant 200 : i32
        %mul3A_337 = arith.muli %add3A_335, %mul3A_336 : i32
        %add3A_338 = arith.addi %mul3A_2, %mul3A_337 : i32
        %multiple_of3A_339 = tpu.assume_multiple %add3A_338, 200 : i32
        %dma_start3A_340 = arith.constant 3 : i32
        %dma_start3A_341 = tpu.memref_slice %arg2[%multiple_of3A_339] : memref<819200xi32, #tpu.memory_space<hbm>> -> memref<200xi32, #tpu.memory_space<hbm>>
        %dma_start3A_342 = tpu.memref_slice %arg13[%dma_start3A_340] : memref<4x!tpu.dma_semaphore, #tpu.memory_space<semaphore_mem>> -> memref<1x!tpu.dma_semaphore, #tpu.memory_space<semaphore_mem>>
        %dma_start3A_343 = tpu.memref_squeeze %dma_start3A_342 : memref<1x!tpu.dma_semaphore, #tpu.memory_space<semaphore_mem>> -> memref<!tpu.dma_semaphore, #tpu.memory_space<semaphore_mem>>
        %dma_start3A_344 = tpu.memref_slice %arg2[%multiple_of3A_339] : memref<819200xi32, #tpu.memory_space<hbm>> -> memref<200xi32, #tpu.memory_space<hbm>>
        tpu.enqueue_dma source(%dma_start3A_344 : memref<200xi32, #tpu.memory_space<hbm>>) target(%arg8 : memref<200xi32, #tpu.memory_space<vmem>>) target_semaphore(%dma_start3A_343 : memref<!tpu.dma_semaphore, #tpu.memory_space<semaphore_mem>>)
      } else {
      }
      %mul3A_204 = arith.constant 4 : i32
      %mul3A_205 = arith.muli %mul3A_204, %scan3A_145 : i32
      %add3A_206 = arith.constant 2 : i32
      %add3A_207 = arith.addi %mul3A_205, %add3A_206 : i32
      %mul3A_208 = arith.constant 200 : i32
      %mul3A_209 = arith.muli %add3A_207, %mul3A_208 : i32
      %add3A_210 = arith.addi %mul3A_2, %mul3A_209 : i32
      %multiple_of3A_211 = tpu.assume_multiple %add3A_210, 200 : i32
      %dma_wait3A_212 = arith.constant 2 : i32
      %dma_wait3A_213 = tpu.memref_slice %arg2[%multiple_of3A_211] : memref<819200xi32, #tpu.memory_space<hbm>> -> memref<200xi32, #tpu.memory_space<hbm>>
      %dma_wait3A_214 = tpu.memref_slice %arg13[%dma_wait3A_212] : memref<4x!tpu.dma_semaphore, #tpu.memory_space<semaphore_mem>> -> memref<1x!tpu.dma_semaphore, #tpu.memory_space<semaphore_mem>>
      %dma_wait3A_215 = tpu.memref_squeeze %dma_wait3A_214 : memref<1x!tpu.dma_semaphore, #tpu.memory_space<semaphore_mem>> -> memref<!tpu.dma_semaphore, #tpu.memory_space<semaphore_mem>>
      %dma_wait3A_216 = tpu.memref_slice %arg2[%multiple_of3A_211] : memref<819200xi32, #tpu.memory_space<hbm>> -> memref<200xi32, #tpu.memory_space<hbm>>
      tpu.wait_dma2 semaphore(%dma_wait3A_215 : memref<!tpu.dma_semaphore, #tpu.memory_space<semaphore_mem>>) src(%dma_wait3A_216 : memref<200xi32, #tpu.memory_space<hbm>>) dst(%arg7 : memref<200xi32, #tpu.memory_space<vmem>>)
      %ge3A_217 = arith.constant 1 : i32
      %ge3A_218 = arith.cmpi sge, %scan3A_145, %ge3A_217 : i32
      %convert_element_type3A_219 = arith.extui %ge3A_218 : i1 to i32
      %cond3A_220 = arith.constant 0 : i32
      %cond3A_221 = arith.cmpi ne, %convert_element_type3A_219, %cond3A_220 : i32
      scf.if %cond3A_221 {
        %sub3A_311 = arith.constant 4 : i32
        %sub3A_312 = arith.subi %add3A_207, %sub3A_311 : i32
        %mul3A_313 = arith.constant 200 : i32
        %mul3A_314 = arith.muli %sub3A_312, %mul3A_313 : i32
        %add3A_315 = arith.addi %mul3A_2, %mul3A_314 : i32
        %multiple_of3A_316 = tpu.assume_multiple %add3A_315, 200 : i32
        %dma_wait3A_317 = arith.constant 2 : i32
        %dma_wait3A_318 = arith.constant 0 : i32
        %dma_wait3A_319 = arith.constant 0 : i32
        %dma_wait3A_320 = tpu.memref_slice %arg11[%dma_wait3A_318, %dma_wait3A_319] : memref<200x128xf32, #tpu.memory_space<vmem>> -> memref<200x64xf32, #tpu.memory_space<vmem>>
        %dma_wait3A_321 = arith.constant 0 : i32
        %dma_wait3A_322 = tpu.memref_slice %arg4[%multiple_of3A_316, %dma_wait3A_321] : memref<819200x128xf32, #tpu.memory_space<hbm>> -> memref<200x64xf32, #tpu.memory_space<hbm>>
        %dma_wait3A_323 = tpu.memref_slice %arg15[%dma_wait3A_317] : memref<4x!tpu.dma_semaphore, #tpu.memory_space<semaphore_mem>> -> memref<1x!tpu.dma_semaphore, #tpu.memory_space<semaphore_mem>>
        %dma_wait3A_324 = tpu.memref_squeeze %dma_wait3A_323 : memref<1x!tpu.dma_semaphore, #tpu.memory_space<semaphore_mem>> -> memref<!tpu.dma_semaphore, #tpu.memory_space<semaphore_mem>>
        %dma_wait3A_325 = arith.constant 0 : i32
        %dma_wait3A_326 = tpu.memref_slice %arg4[%multiple_of3A_316, %dma_wait3A_325] : memref<819200x128xf32, #tpu.memory_space<hbm>> -> memref<200x64xf32, #tpu.memory_space<hbm>>
        %dma_wait3A_327 = arith.constant 0 : i32
        %dma_wait3A_328 = arith.constant 0 : i32
        %dma_wait3A_329 = tpu.memref_slice %arg11[%dma_wait3A_327, %dma_wait3A_328] : memref<200x128xf32, #tpu.memory_space<vmem>> -> memref<200x64xf32, #tpu.memory_space<vmem>>
        tpu.wait_dma2 semaphore(%dma_wait3A_324 : memref<!tpu.dma_semaphore, #tpu.memory_space<semaphore_mem>>) src(%dma_wait3A_329 : memref<200x64xf32, #tpu.memory_space<vmem>>) dst(%dma_wait3A_326 : memref<200x64xf32, #tpu.memory_space<hbm>>)
      } else {
      }
      %dma_start3A_222 = arith.constant 2 : i32
      %dma_start3A_223 = arith.constant 0 : i32
      %dma_start3A_224 = arith.constant 0 : i32
      %dma_start3A_225 = tpu.memref_slice %arg3[%dma_start3A_223, %dma_start3A_224] : memref<1000000x128xf32, #tpu.memory_space<hbm>> -> memref<1000000x128xf32, #tpu.memory_space<hbm>>
      %dma_start3A_226 = tpu.memref_slice %arg14[%dma_start3A_222] : memref<4x!tpu.dma_semaphore, #tpu.memory_space<semaphore_mem>> -> memref<1x!tpu.dma_semaphore, #tpu.memory_space<semaphore_mem>>
      %dma_start3A_227 = tpu.memref_squeeze %dma_start3A_226 : memref<1x!tpu.dma_semaphore, #tpu.memory_space<semaphore_mem>> -> memref<!tpu.dma_semaphore, #tpu.memory_space<semaphore_mem>>
      tpu.enqueue_indirect_dma source(%dma_start3A_225 : memref<1000000x128xf32, #tpu.memory_space<hbm>>) target(%arg11 : memref<200x128xf32, #tpu.memory_space<vmem>>) offsets(%arg7 : memref<200xi32, #tpu.memory_space<vmem>>) semaphore(%dma_start3A_227 : memref<!tpu.dma_semaphore, #tpu.memory_space<semaphore_mem>>)
      %sub3A_228 = arith.constant 2 : i32
      %sub3A_229 = arith.subi %add3A_207, %sub3A_228 : i32
      %dma_wait3A_230 = arith.constant 0 : i32
      %dma_wait3A_231 = arith.constant 0 : i32
      %dma_wait3A_232 = arith.constant 0 : i32
      %dma_wait3A_233 = tpu.memref_slice %arg3[%dma_wait3A_231, %dma_wait3A_232] : memref<1000000x128xf32, #tpu.memory_space<hbm>> -> memref<1000000x128xf32, #tpu.memory_space<hbm>>
      %dma_wait3A_234 = tpu.memref_slice %arg14[%dma_wait3A_230] : memref<4x!tpu.dma_semaphore, #tpu.memory_space<semaphore_mem>> -> memref<1x!tpu.dma_semaphore, #tpu.memory_space<semaphore_mem>>
      %dma_wait3A_235 = tpu.memref_squeeze %dma_wait3A_234 : memref<1x!tpu.dma_semaphore, #tpu.memory_space<semaphore_mem>> -> memref<!tpu.dma_semaphore, #tpu.memory_space<semaphore_mem>>
      tpu.wait_indirect_dma semaphore(%dma_wait3A_235 : memref<!tpu.dma_semaphore, #tpu.memory_space<semaphore_mem>>) src(%dma_wait3A_233 : memref<1000000x128xf32, #tpu.memory_space<hbm>>) dst(%arg9 : memref<200x128xf32, #tpu.memory_space<vmem>>)
      %mul3A_236 = arith.constant 200 : i32
      %mul3A_237 = arith.muli %sub3A_229, %mul3A_236 : i32
      %add3A_238 = arith.addi %mul3A_2, %mul3A_237 : i32
      %multiple_of3A_239 = tpu.assume_multiple %add3A_238, 200 : i32
      %dma_start3A_240 = arith.constant 0 : i32
      %dma_start3A_241 = arith.constant 0 : i32
      %dma_start3A_242 = arith.constant 0 : i32
      %dma_start3A_243 = tpu.memref_slice %arg9[%dma_start3A_241, %dma_start3A_242] : memref<200x128xf32, #tpu.memory_space<vmem>> -> memref<200x64xf32, #tpu.memory_space<vmem>>
      %dma_start3A_244 = arith.constant 0 : i32
      %dma_start3A_245 = tpu.memref_slice %arg4[%multiple_of3A_239, %dma_start3A_244] : memref<819200x128xf32, #tpu.memory_space<hbm>> -> memref<200x64xf32, #tpu.memory_space<hbm>>
      %dma_start3A_246 = tpu.memref_slice %arg15[%dma_start3A_240] : memref<4x!tpu.dma_semaphore, #tpu.memory_space<semaphore_mem>> -> memref<1x!tpu.dma_semaphore, #tpu.memory_space<semaphore_mem>>
      %dma_start3A_247 = tpu.memref_squeeze %dma_start3A_246 : memref<1x!tpu.dma_semaphore, #tpu.memory_space<semaphore_mem>> -> memref<!tpu.dma_semaphore, #tpu.memory_space<semaphore_mem>>
      %dma_start3A_248 = arith.constant 0 : i32
      %dma_start3A_249 = tpu.memref_slice %arg4[%multiple_of3A_239, %dma_start3A_248] : memref<819200x128xf32, #tpu.memory_space<hbm>> -> memref<200x64xf32, #tpu.memory_space<hbm>>
      %dma_start3A_250 = arith.constant 0 : i32
      %dma_start3A_251 = arith.constant 0 : i32
      %dma_start3A_252 = tpu.memref_slice %arg9[%dma_start3A_250, %dma_start3A_251] : memref<200x128xf32, #tpu.memory_space<vmem>> -> memref<200x64xf32, #tpu.memory_space<vmem>>
      tpu.enqueue_dma source(%dma_start3A_252 : memref<200x64xf32, #tpu.memory_space<vmem>>) target(%dma_start3A_249 : memref<200x64xf32, #tpu.memory_space<hbm>>) target_semaphore(%dma_start3A_247 : memref<!tpu.dma_semaphore, #tpu.memory_space<semaphore_mem>>)
      %lt3A = arith.constant 31 : i32
      %lt3A_253 = arith.cmpi slt, %scan3A_145, %lt3A : i32
      %convert_element_type3A_254 = arith.extui %lt3A_253 : i1 to i32
      %cond3A_255 = arith.constant 0 : i32
      %cond3A_256 = arith.cmpi ne, %convert_element_type3A_254, %cond3A_255 : i32
      scf.if %cond3A_256 {
        %add3A_311 = arith.constant 4 : i32
        %add3A_312 = arith.addi %sub3A_229, %add3A_311 : i32
        %mul3A_313 = arith.constant 200 : i32
        %mul3A_314 = arith.muli %add3A_312, %mul3A_313 : i32
        %add3A_315 = arith.addi %mul3A_2, %mul3A_314 : i32
        %multiple_of3A_316 = tpu.assume_multiple %add3A_315, 200 : i32
        %dma_start3A_317 = arith.constant 0 : i32
        %dma_start3A_318 = tpu.memref_slice %arg2[%multiple_of3A_316] : memref<819200xi32, #tpu.memory_space<hbm>> -> memref<200xi32, #tpu.memory_space<hbm>>
        %dma_start3A_319 = tpu.memref_slice %arg13[%dma_start3A_317] : memref<4x!tpu.dma_semaphore, #tpu.memory_space<semaphore_mem>> -> memref<1x!tpu.dma_semaphore, #tpu.memory_space<semaphore_mem>>
        %dma_start3A_320 = tpu.memref_squeeze %dma_start3A_319 : memref<1x!tpu.dma_semaphore, #tpu.memory_space<semaphore_mem>> -> memref<!tpu.dma_semaphore, #tpu.memory_space<semaphore_mem>>
        %dma_start3A_321 = tpu.memref_slice %arg2[%multiple_of3A_316] : memref<819200xi32, #tpu.memory_space<hbm>> -> memref<200xi32, #tpu.memory_space<hbm>>
        tpu.enqueue_dma source(%dma_start3A_321 : memref<200xi32, #tpu.memory_space<hbm>>) target(%arg5 : memref<200xi32, #tpu.memory_space<vmem>>) target_semaphore(%dma_start3A_320 : memref<!tpu.dma_semaphore, #tpu.memory_space<semaphore_mem>>)
      } else {
      }
      %mul3A_257 = arith.constant 4 : i32
      %mul3A_258 = arith.muli %mul3A_257, %scan3A_145 : i32
      %add3A_259 = arith.constant 3 : i32
      %add3A_260 = arith.addi %mul3A_258, %add3A_259 : i32
      %mul3A_261 = arith.constant 200 : i32
      %mul3A_262 = arith.muli %add3A_260, %mul3A_261 : i32
      %add3A_263 = arith.addi %mul3A_2, %mul3A_262 : i32
      %multiple_of3A_264 = tpu.assume_multiple %add3A_263, 200 : i32
      %dma_wait3A_265 = arith.constant 3 : i32
      %dma_wait3A_266 = tpu.memref_slice %arg2[%multiple_of3A_264] : memref<819200xi32, #tpu.memory_space<hbm>> -> memref<200xi32, #tpu.memory_space<hbm>>
      %dma_wait3A_267 = tpu.memref_slice %arg13[%dma_wait3A_265] : memref<4x!tpu.dma_semaphore, #tpu.memory_space<semaphore_mem>> -> memref<1x!tpu.dma_semaphore, #tpu.memory_space<semaphore_mem>>
      %dma_wait3A_268 = tpu.memref_squeeze %dma_wait3A_267 : memref<1x!tpu.dma_semaphore, #tpu.memory_space<semaphore_mem>> -> memref<!tpu.dma_semaphore, #tpu.memory_space<semaphore_mem>>
      %dma_wait3A_269 = tpu.memref_slice %arg2[%multiple_of3A_264] : memref<819200xi32, #tpu.memory_space<hbm>> -> memref<200xi32, #tpu.memory_space<hbm>>
      tpu.wait_dma2 semaphore(%dma_wait3A_268 : memref<!tpu.dma_semaphore, #tpu.memory_space<semaphore_mem>>) src(%dma_wait3A_269 : memref<200xi32, #tpu.memory_space<hbm>>) dst(%arg8 : memref<200xi32, #tpu.memory_space<vmem>>)
      %ge3A_270 = arith.constant 1 : i32
      %ge3A_271 = arith.cmpi sge, %scan3A_145, %ge3A_270 : i32
      %convert_element_type3A_272 = arith.extui %ge3A_271 : i1 to i32
      %cond3A_273 = arith.constant 0 : i32
      %cond3A_274 = arith.cmpi ne, %convert_element_type3A_272, %cond3A_273 : i32
      scf.if %cond3A_274 {
        %sub3A_311 = arith.constant 4 : i32
        %sub3A_312 = arith.subi %add3A_260, %sub3A_311 : i32
        %mul3A_313 = arith.constant 200 : i32
        %mul3A_314 = arith.muli %sub3A_312, %mul3A_313 : i32
        %add3A_315 = arith.addi %mul3A_2, %mul3A_314 : i32
        %multiple_of3A_316 = tpu.assume_multiple %add3A_315, 200 : i32
        %dma_wait3A_317 = arith.constant 3 : i32
        %dma_wait3A_318 = arith.constant 0 : i32
        %dma_wait3A_319 = arith.constant 0 : i32
        %dma_wait3A_320 = tpu.memref_slice %arg12[%dma_wait3A_318, %dma_wait3A_319] : memref<200x128xf32, #tpu.memory_space<vmem>> -> memref<200x64xf32, #tpu.memory_space<vmem>>
        %dma_wait3A_321 = arith.constant 0 : i32
        %dma_wait3A_322 = tpu.memref_slice %arg4[%multiple_of3A_316, %dma_wait3A_321] : memref<819200x128xf32, #tpu.memory_space<hbm>> -> memref<200x64xf32, #tpu.memory_space<hbm>>
        %dma_wait3A_323 = tpu.memref_slice %arg15[%dma_wait3A_317] : memref<4x!tpu.dma_semaphore, #tpu.memory_space<semaphore_mem>> -> memref<1x!tpu.dma_semaphore, #tpu.memory_space<semaphore_mem>>
        %dma_wait3A_324 = tpu.memref_squeeze %dma_wait3A_323 : memref<1x!tpu.dma_semaphore, #tpu.memory_space<semaphore_mem>> -> memref<!tpu.dma_semaphore, #tpu.memory_space<semaphore_mem>>
        %dma_wait3A_325 = arith.constant 0 : i32
        %dma_wait3A_326 = tpu.memref_slice %arg4[%multiple_of3A_316, %dma_wait3A_325] : memref<819200x128xf32, #tpu.memory_space<hbm>> -> memref<200x64xf32, #tpu.memory_space<hbm>>
        %dma_wait3A_327 = arith.constant 0 : i32
        %dma_wait3A_328 = arith.constant 0 : i32
        %dma_wait3A_329 = tpu.memref_slice %arg12[%dma_wait3A_327, %dma_wait3A_328] : memref<200x128xf32, #tpu.memory_space<vmem>> -> memref<200x64xf32, #tpu.memory_space<vmem>>
        tpu.wait_dma2 semaphore(%dma_wait3A_324 : memref<!tpu.dma_semaphore, #tpu.memory_space<semaphore_mem>>) src(%dma_wait3A_329 : memref<200x64xf32, #tpu.memory_space<vmem>>) dst(%dma_wait3A_326 : memref<200x64xf32, #tpu.memory_space<hbm>>)
      } else {
      }
      %dma_start3A_275 = arith.constant 3 : i32
      %dma_start3A_276 = arith.constant 0 : i32
      %dma_start3A_277 = arith.constant 0 : i32
      %dma_start3A_278 = tpu.memref_slice %arg3[%dma_start3A_276, %dma_start3A_277] : memref<1000000x128xf32, #tpu.memory_space<hbm>> -> memref<1000000x128xf32, #tpu.memory_space<hbm>>
      %dma_start3A_279 = tpu.memref_slice %arg14[%dma_start3A_275] : memref<4x!tpu.dma_semaphore, #tpu.memory_space<semaphore_mem>> -> memref<1x!tpu.dma_semaphore, #tpu.memory_space<semaphore_mem>>
      %dma_start3A_280 = tpu.memref_squeeze %dma_start3A_279 : memref<1x!tpu.dma_semaphore, #tpu.memory_space<semaphore_mem>> -> memref<!tpu.dma_semaphore, #tpu.memory_space<semaphore_mem>>
      tpu.enqueue_indirect_dma source(%dma_start3A_278 : memref<1000000x128xf32, #tpu.memory_space<hbm>>) target(%arg12 : memref<200x128xf32, #tpu.memory_space<vmem>>) offsets(%arg8 : memref<200xi32, #tpu.memory_space<vmem>>) semaphore(%dma_start3A_280 : memref<!tpu.dma_semaphore, #tpu.memory_space<semaphore_mem>>)
      %sub3A_281 = arith.constant 2 : i32
      %sub3A_282 = arith.subi %add3A_260, %sub3A_281 : i32
      %dma_wait3A_283 = arith.constant 1 : i32
      %dma_wait3A_284 = arith.constant 0 : i32
      %dma_wait3A_285 = arith.constant 0 : i32
      %dma_wait3A_286 = tpu.memref_slice %arg3[%dma_wait3A_284, %dma_wait3A_285] : memref<1000000x128xf32, #tpu.memory_space<hbm>> -> memref<1000000x128xf32, #tpu.memory_space<hbm>>
      %dma_wait3A_287 = tpu.memref_slice %arg14[%dma_wait3A_283] : memref<4x!tpu.dma_semaphore, #tpu.memory_space<semaphore_mem>> -> memref<1x!tpu.dma_semaphore, #tpu.memory_space<semaphore_mem>>
      %dma_wait3A_288 = tpu.memref_squeeze %dma_wait3A_287 : memref<1x!tpu.dma_semaphore, #tpu.memory_space<semaphore_mem>> -> memref<!tpu.dma_semaphore, #tpu.memory_space<semaphore_mem>>
      tpu.wait_indirect_dma semaphore(%dma_wait3A_288 : memref<!tpu.dma_semaphore, #tpu.memory_space<semaphore_mem>>) src(%dma_wait3A_286 : memref<1000000x128xf32, #tpu.memory_space<hbm>>) dst(%arg10 : memref<200x128xf32, #tpu.memory_space<vmem>>)
      %mul3A_289 = arith.constant 200 : i32
      %mul3A_290 = arith.muli %sub3A_282, %mul3A_289 : i32
      %add3A_291 = arith.addi %mul3A_2, %mul3A_290 : i32
      %multiple_of3A_292 = tpu.assume_multiple %add3A_291, 200 : i32
      %dma_start3A_293 = arith.constant 1 : i32
      %dma_start3A_294 = arith.constant 0 : i32
      %dma_start3A_295 = arith.constant 0 : i32
      %dma_start3A_296 = tpu.memref_slice %arg10[%dma_start3A_294, %dma_start3A_295] : memref<200x128xf32, #tpu.memory_space<vmem>> -> memref<200x64xf32, #tpu.memory_space<vmem>>
      %dma_start3A_297 = arith.constant 0 : i32
      %dma_start3A_298 = tpu.memref_slice %arg4[%multiple_of3A_292, %dma_start3A_297] : memref<819200x128xf32, #tpu.memory_space<hbm>> -> memref<200x64xf32, #tpu.memory_space<hbm>>
      %dma_start3A_299 = tpu.memref_slice %arg15[%dma_start3A_293] : memref<4x!tpu.dma_semaphore, #tpu.memory_space<semaphore_mem>> -> memref<1x!tpu.dma_semaphore, #tpu.memory_space<semaphore_mem>>
      %dma_start3A_300 = tpu.memref_squeeze %dma_start3A_299 : memref<1x!tpu.dma_semaphore, #tpu.memory_space<semaphore_mem>> -> memref<!tpu.dma_semaphore, #tpu.memory_space<semaphore_mem>>
      %dma_start3A_301 = arith.constant 0 : i32
      %dma_start3A_302 = tpu.memref_slice %arg4[%multiple_of3A_292, %dma_start3A_301] : memref<819200x128xf32, #tpu.memory_space<hbm>> -> memref<200x64xf32, #tpu.memory_space<hbm>>
      %dma_start3A_303 = arith.constant 0 : i32
      %dma_start3A_304 = arith.constant 0 : i32
      %dma_start3A_305 = tpu.memref_slice %arg10[%dma_start3A_303, %dma_start3A_304] : memref<200x128xf32, #tpu.memory_space<vmem>> -> memref<200x64xf32, #tpu.memory_space<vmem>>
      tpu.enqueue_dma source(%dma_start3A_305 : memref<200x64xf32, #tpu.memory_space<vmem>>) target(%dma_start3A_302 : memref<200x64xf32, #tpu.memory_space<hbm>>) target_semaphore(%dma_start3A_300 : memref<!tpu.dma_semaphore, #tpu.memory_space<semaphore_mem>>)
      %lt3A_306 = arith.constant 31 : i32
      %lt3A_307 = arith.cmpi slt, %scan3A_145, %lt3A_306 : i32
      %convert_element_type3A_308 = arith.extui %lt3A_307 : i1 to i32
      %cond3A_309 = arith.constant 0 : i32
      %cond3A_310 = arith.cmpi ne, %convert_element_type3A_308, %cond3A_309 : i32
      scf.if %cond3A_310 {
        %add3A_311 = arith.constant 4 : i32
        %add3A_312 = arith.addi %sub3A_282, %add3A_311 : i32
        %mul3A_313 = arith.constant 200 : i32
        %mul3A_314 = arith.muli %add3A_312, %mul3A_313 : i32
        %add3A_315 = arith.addi %mul3A_2, %mul3A_314 : i32
        %multiple_of3A_316 = tpu.assume_multiple %add3A_315, 200 : i32
        %dma_start3A_317 = arith.constant 1 : i32
        %dma_start3A_318 = tpu.memref_slice %arg2[%multiple_of3A_316] : memref<819200xi32, #tpu.memory_space<hbm>> -> memref<200xi32, #tpu.memory_space<hbm>>
        %dma_start3A_319 = tpu.memref_slice %arg13[%dma_start3A_317] : memref<4x!tpu.dma_semaphore, #tpu.memory_space<semaphore_mem>> -> memref<1x!tpu.dma_semaphore, #tpu.memory_space<semaphore_mem>>
        %dma_start3A_320 = tpu.memref_squeeze %dma_start3A_319 : memref<1x!tpu.dma_semaphore, #tpu.memory_space<semaphore_mem>> -> memref<!tpu.dma_semaphore, #tpu.memory_space<semaphore_mem>>
        %dma_start3A_321 = tpu.memref_slice %arg2[%multiple_of3A_316] : memref<819200xi32, #tpu.memory_space<hbm>> -> memref<200xi32, #tpu.memory_space<hbm>>
        tpu.enqueue_dma source(%dma_start3A_321 : memref<200xi32, #tpu.memory_space<hbm>>) target(%arg6 : memref<200xi32, #tpu.memory_space<vmem>>) target_semaphore(%dma_start3A_320 : memref<!tpu.dma_semaphore, #tpu.memory_space<semaphore_mem>>)
      } else {
      }
    }
    %scan3A_37 = arith.constant 32 : i32
    %dma_wait3A = arith.constant 2 : i32
    %dma_wait3A_38 = arith.constant 0 : i32
    %dma_wait3A_39 = arith.constant 0 : i32
    %dma_wait3A_40 = tpu.memref_slice %arg3[%dma_wait3A_38, %dma_wait3A_39] : memref<1000000x128xf32, #tpu.memory_space<hbm>> -> memref<1000000x128xf32, #tpu.memory_space<hbm>>
    %dma_wait3A_41 = tpu.memref_slice %arg14[%dma_wait3A] : memref<4x!tpu.dma_semaphore, #tpu.memory_space<semaphore_mem>> -> memref<1x!tpu.dma_semaphore, #tpu.memory_space<semaphore_mem>>
    %dma_wait3A_42 = tpu.memref_squeeze %dma_wait3A_41 : memref<1x!tpu.dma_semaphore, #tpu.memory_space<semaphore_mem>> -> memref<!tpu.dma_semaphore, #tpu.memory_space<semaphore_mem>>
    tpu.wait_indirect_dma semaphore(%dma_wait3A_42 : memref<!tpu.dma_semaphore, #tpu.memory_space<semaphore_mem>>) src(%dma_wait3A_40 : memref<1000000x128xf32, #tpu.memory_space<hbm>>) dst(%arg11 : memref<200x128xf32, #tpu.memory_space<vmem>>)
    %add3A_43 = arith.constant 25200 : i32
    %add3A_44 = arith.addi %mul3A_2, %add3A_43 : i32
    %multiple_of3A_45 = tpu.assume_multiple %add3A_44, 200 : i32
    %dma_start3A_46 = arith.constant 2 : i32
    %dma_start3A_47 = arith.constant 0 : i32
    %dma_start3A_48 = arith.constant 0 : i32
    %dma_start3A_49 = tpu.memref_slice %arg11[%dma_start3A_47, %dma_start3A_48] : memref<200x128xf32, #tpu.memory_space<vmem>> -> memref<200x64xf32, #tpu.memory_space<vmem>>
    %dma_start3A_50 = arith.constant 0 : i32
    %dma_start3A_51 = tpu.memref_slice %arg4[%multiple_of3A_45, %dma_start3A_50] : memref<819200x128xf32, #tpu.memory_space<hbm>> -> memref<200x64xf32, #tpu.memory_space<hbm>>
    %dma_start3A_52 = tpu.memref_slice %arg15[%dma_start3A_46] : memref<4x!tpu.dma_semaphore, #tpu.memory_space<semaphore_mem>> -> memref<1x!tpu.dma_semaphore, #tpu.memory_space<semaphore_mem>>
    %dma_start3A_53 = tpu.memref_squeeze %dma_start3A_52 : memref<1x!tpu.dma_semaphore, #tpu.memory_space<semaphore_mem>> -> memref<!tpu.dma_semaphore, #tpu.memory_space<semaphore_mem>>
    %dma_start3A_54 = arith.constant 0 : i32
    %dma_start3A_55 = tpu.memref_slice %arg4[%multiple_of3A_45, %dma_start3A_54] : memref<819200x128xf32, #tpu.memory_space<hbm>> -> memref<200x64xf32, #tpu.memory_space<hbm>>
    %dma_start3A_56 = arith.constant 0 : i32
    %dma_start3A_57 = arith.constant 0 : i32
    %dma_start3A_58 = tpu.memref_slice %arg11[%dma_start3A_56, %dma_start3A_57] : memref<200x128xf32, #tpu.memory_space<vmem>> -> memref<200x64xf32, #tpu.memory_space<vmem>>
    tpu.enqueue_dma source(%dma_start3A_58 : memref<200x64xf32, #tpu.memory_space<vmem>>) target(%dma_start3A_55 : memref<200x64xf32, #tpu.memory_space<hbm>>) target_semaphore(%dma_start3A_53 : memref<!tpu.dma_semaphore, #tpu.memory_space<semaphore_mem>>)
    %dma_wait3A_59 = arith.constant 3 : i32
    %dma_wait3A_60 = arith.constant 0 : i32
    %dma_wait3A_61 = arith.constant 0 : i32
    %dma_wait3A_62 = tpu.memref_slice %arg3[%dma_wait3A_60, %dma_wait3A_61] : memref<1000000x128xf32, #tpu.memory_space<hbm>> -> memref<1000000x128xf32, #tpu.memory_space<hbm>>
    %dma_wait3A_63 = tpu.memref_slice %arg14[%dma_wait3A_59] : memref<4x!tpu.dma_semaphore, #tpu.memory_space<semaphore_mem>> -> memref<1x!tpu.dma_semaphore, #tpu.memory_space<semaphore_mem>>
    %dma_wait3A_64 = tpu.memref_squeeze %dma_wait3A_63 : memref<1x!tpu.dma_semaphore, #tpu.memory_space<semaphore_mem>> -> memref<!tpu.dma_semaphore, #tpu.memory_space<semaphore_mem>>
    tpu.wait_indirect_dma semaphore(%dma_wait3A_64 : memref<!tpu.dma_semaphore, #tpu.memory_space<semaphore_mem>>) src(%dma_wait3A_62 : memref<1000000x128xf32, #tpu.memory_space<hbm>>) dst(%arg12 : memref<200x128xf32, #tpu.memory_space<vmem>>)
    %add3A_65 = arith.constant 25400 : i32
    %add3A_66 = arith.addi %mul3A_2, %add3A_65 : i32
    %multiple_of3A_67 = tpu.assume_multiple %add3A_66, 200 : i32
    %dma_start3A_68 = arith.constant 3 : i32
    %dma_start3A_69 = arith.constant 0 : i32
    %dma_start3A_70 = arith.constant 0 : i32
    %dma_start3A_71 = tpu.memref_slice %arg12[%dma_start3A_69, %dma_start3A_70] : memref<200x128xf32, #tpu.memory_space<vmem>> -> memref<200x64xf32, #tpu.memory_space<vmem>>
    %dma_start3A_72 = arith.constant 0 : i32
    %dma_start3A_73 = tpu.memref_slice %arg4[%multiple_of3A_67, %dma_start3A_72] : memref<819200x128xf32, #tpu.memory_space<hbm>> -> memref<200x64xf32, #tpu.memory_space<hbm>>
    %dma_start3A_74 = tpu.memref_slice %arg15[%dma_start3A_68] : memref<4x!tpu.dma_semaphore, #tpu.memory_space<semaphore_mem>> -> memref<1x!tpu.dma_semaphore, #tpu.memory_space<semaphore_mem>>
    %dma_start3A_75 = tpu.memref_squeeze %dma_start3A_74 : memref<1x!tpu.dma_semaphore, #tpu.memory_space<semaphore_mem>> -> memref<!tpu.dma_semaphore, #tpu.memory_space<semaphore_mem>>
    %dma_start3A_76 = arith.constant 0 : i32
    %dma_start3A_77 = tpu.memref_slice %arg4[%multiple_of3A_67, %dma_start3A_76] : memref<819200x128xf32, #tpu.memory_space<hbm>> -> memref<200x64xf32, #tpu.memory_space<hbm>>
    %dma_start3A_78 = arith.constant 0 : i32
    %dma_start3A_79 = arith.constant 0 : i32
    %dma_start3A_80 = tpu.memref_slice %arg12[%dma_start3A_78, %dma_start3A_79] : memref<200x128xf32, #tpu.memory_space<vmem>> -> memref<200x64xf32, #tpu.memory_space<vmem>>
    tpu.enqueue_dma source(%dma_start3A_80 : memref<200x64xf32, #tpu.memory_space<vmem>>) target(%dma_start3A_77 : memref<200x64xf32, #tpu.memory_space<hbm>>) target_semaphore(%dma_start3A_75 : memref<!tpu.dma_semaphore, #tpu.memory_space<semaphore_mem>>)
    %add3A_81 = arith.constant 24800 : i32
    %add3A_82 = arith.addi %mul3A_2, %add3A_81 : i32
    %multiple_of3A_83 = tpu.assume_multiple %add3A_82, 200 : i32
    %dma_wait3A_84 = arith.constant 0 : i32
    %dma_wait3A_85 = arith.constant 0 : i32
    %dma_wait3A_86 = arith.constant 0 : i32
    %dma_wait3A_87 = tpu.memref_slice %arg9[%dma_wait3A_85, %dma_wait3A_86] : memref<200x128xf32, #tpu.memory_space<vmem>> -> memref<200x64xf32, #tpu.memory_space<vmem>>
    %dma_wait3A_88 = arith.constant 0 : i32
    %dma_wait3A_89 = tpu.memref_slice %arg4[%multiple_of3A_83, %dma_wait3A_88] : memref<819200x128xf32, #tpu.memory_space<hbm>> -> memref<200x64xf32, #tpu.memory_space<hbm>>
    %dma_wait3A_90 = tpu.memref_slice %arg15[%dma_wait3A_84] : memref<4x!tpu.dma_semaphore, #tpu.memory_space<semaphore_mem>> -> memref<1x!tpu.dma_semaphore, #tpu.memory_space<semaphore_mem>>
    %dma_wait3A_91 = tpu.memref_squeeze %dma_wait3A_90 : memref<1x!tpu.dma_semaphore, #tpu.memory_space<semaphore_mem>> -> memref<!tpu.dma_semaphore, #tpu.memory_space<semaphore_mem>>
    %dma_wait3A_92 = arith.constant 0 : i32
    %dma_wait3A_93 = tpu.memref_slice %arg4[%multiple_of3A_83, %dma_wait3A_92] : memref<819200x128xf32, #tpu.memory_space<hbm>> -> memref<200x64xf32, #tpu.memory_space<hbm>>
    %dma_wait3A_94 = arith.constant 0 : i32
    %dma_wait3A_95 = arith.constant 0 : i32
    %dma_wait3A_96 = tpu.memref_slice %arg9[%dma_wait3A_94, %dma_wait3A_95] : memref<200x128xf32, #tpu.memory_space<vmem>> -> memref<200x64xf32, #tpu.memory_space<vmem>>
    tpu.wait_dma2 semaphore(%dma_wait3A_91 : memref<!tpu.dma_semaphore, #tpu.memory_space<semaphore_mem>>) src(%dma_wait3A_96 : memref<200x64xf32, #tpu.memory_space<vmem>>) dst(%dma_wait3A_93 : memref<200x64xf32, #tpu.memory_space<hbm>>)
    %add3A_97 = arith.constant 25000 : i32
    %add3A_98 = arith.addi %mul3A_2, %add3A_97 : i32
    %multiple_of3A_99 = tpu.assume_multiple %add3A_98, 200 : i32
    %dma_wait3A_100 = arith.constant 1 : i32
    %dma_wait3A_101 = arith.constant 0 : i32
    %dma_wait3A_102 = arith.constant 0 : i32
    %dma_wait3A_103 = tpu.memref_slice %arg10[%dma_wait3A_101, %dma_wait3A_102] : memref<200x128xf32, #tpu.memory_space<vmem>> -> memref<200x64xf32, #tpu.memory_space<vmem>>
    %dma_wait3A_104 = arith.constant 0 : i32
    %dma_wait3A_105 = tpu.memref_slice %arg4[%multiple_of3A_99, %dma_wait3A_104] : memref<819200x128xf32, #tpu.memory_space<hbm>> -> memref<200x64xf32, #tpu.memory_space<hbm>>
    %dma_wait3A_106 = tpu.memref_slice %arg15[%dma_wait3A_100] : memref<4x!tpu.dma_semaphore, #tpu.memory_space<semaphore_mem>> -> memref<1x!tpu.dma_semaphore, #tpu.memory_space<semaphore_mem>>
    %dma_wait3A_107 = tpu.memref_squeeze %dma_wait3A_106 : memref<1x!tpu.dma_semaphore, #tpu.memory_space<semaphore_mem>> -> memref<!tpu.dma_semaphore, #tpu.memory_space<semaphore_mem>>
    %dma_wait3A_108 = arith.constant 0 : i32
    %dma_wait3A_109 = tpu.memref_slice %arg4[%multiple_of3A_99, %dma_wait3A_108] : memref<819200x128xf32, #tpu.memory_space<hbm>> -> memref<200x64xf32, #tpu.memory_space<hbm>>
    %dma_wait3A_110 = arith.constant 0 : i32
    %dma_wait3A_111 = arith.constant 0 : i32
    %dma_wait3A_112 = tpu.memref_slice %arg10[%dma_wait3A_110, %dma_wait3A_111] : memref<200x128xf32, #tpu.memory_space<vmem>> -> memref<200x64xf32, #tpu.memory_space<vmem>>
    tpu.wait_dma2 semaphore(%dma_wait3A_107 : memref<!tpu.dma_semaphore, #tpu.memory_space<semaphore_mem>>) src(%dma_wait3A_112 : memref<200x64xf32, #tpu.memory_space<vmem>>) dst(%dma_wait3A_109 : memref<200x64xf32, #tpu.memory_space<hbm>>)
    %add3A_113 = arith.constant 25200 : i32
    %add3A_114 = arith.addi %mul3A_2, %add3A_113 : i32
    %multiple_of3A_115 = tpu.assume_multiple %add3A_114, 200 : i32
    %dma_wait3A_116 = arith.constant 2 : i32
    %dma_wait3A_117 = arith.constant 0 : i32
    %dma_wait3A_118 = arith.constant 0 : i32
    %dma_wait3A_119 = tpu.memref_slice %arg11[%dma_wait3A_117, %dma_wait3A_118] : memref<200x128xf32, #tpu.memory_space<vmem>> -> memref<200x64xf32, #tpu.memory_space<vmem>>
    %dma_wait3A_120 = arith.constant 0 : i32
    %dma_wait3A_121 = tpu.memref_slice %arg4[%multiple_of3A_115, %dma_wait3A_120] : memref<819200x128xf32, #tpu.memory_space<hbm>> -> memref<200x64xf32, #tpu.memory_space<hbm>>
    %dma_wait3A_122 = tpu.memref_slice %arg15[%dma_wait3A_116] : memref<4x!tpu.dma_semaphore, #tpu.memory_space<semaphore_mem>> -> memref<1x!tpu.dma_semaphore, #tpu.memory_space<semaphore_mem>>
    %dma_wait3A_123 = tpu.memref_squeeze %dma_wait3A_122 : memref<1x!tpu.dma_semaphore, #tpu.memory_space<semaphore_mem>> -> memref<!tpu.dma_semaphore, #tpu.memory_space<semaphore_mem>>
    %dma_wait3A_124 = arith.constant 0 : i32
    %dma_wait3A_125 = tpu.memref_slice %arg4[%multiple_of3A_115, %dma_wait3A_124] : memref<819200x128xf32, #tpu.memory_space<hbm>> -> memref<200x64xf32, #tpu.memory_space<hbm>>
    %dma_wait3A_126 = arith.constant 0 : i32
    %dma_wait3A_127 = arith.constant 0 : i32
    %dma_wait3A_128 = tpu.memref_slice %arg11[%dma_wait3A_126, %dma_wait3A_127] : memref<200x128xf32, #tpu.memory_space<vmem>> -> memref<200x64xf32, #tpu.memory_space<vmem>>
    tpu.wait_dma2 semaphore(%dma_wait3A_123 : memref<!tpu.dma_semaphore, #tpu.memory_space<semaphore_mem>>) src(%dma_wait3A_128 : memref<200x64xf32, #tpu.memory_space<vmem>>) dst(%dma_wait3A_125 : memref<200x64xf32, #tpu.memory_space<hbm>>)
    %add3A_129 = arith.constant 25400 : i32
    %add3A_130 = arith.addi %mul3A_2, %add3A_129 : i32
    %multiple_of3A_131 = tpu.assume_multiple %add3A_130, 200 : i32
    %dma_wait3A_132 = arith.constant 3 : i32
    %dma_wait3A_133 = arith.constant 0 : i32
    %dma_wait3A_134 = arith.constant 0 : i32
    %dma_wait3A_135 = tpu.memref_slice %arg12[%dma_wait3A_133, %dma_wait3A_134] : memref<200x128xf32, #tpu.memory_space<vmem>> -> memref<200x64xf32, #tpu.memory_space<vmem>>
    %dma_wait3A_136 = arith.constant 0 : i32
    %dma_wait3A_137 = tpu.memref_slice %arg4[%multiple_of3A_131, %dma_wait3A_136] : memref<819200x128xf32, #tpu.memory_space<hbm>> -> memref<200x64xf32, #tpu.memory_space<hbm>>
    %dma_wait3A_138 = tpu.memref_slice %arg15[%dma_wait3A_132] : memref<4x!tpu.dma_semaphore, #tpu.memory_space<semaphore_mem>> -> memref<1x!tpu.dma_semaphore, #tpu.memory_space<semaphore_mem>>
    %dma_wait3A_139 = tpu.memref_squeeze %dma_wait3A_138 : memref<1x!tpu.dma_semaphore, #tpu.memory_space<semaphore_mem>> -> memref<!tpu.dma_semaphore, #tpu.memory_space<semaphore_mem>>
    %dma_wait3A_140 = arith.constant 0 : i32
    %dma_wait3A_141 = tpu.memref_slice %arg4[%multiple_of3A_131, %dma_wait3A_140] : memref<819200x128xf32, #tpu.memory_space<hbm>> -> memref<200x64xf32, #tpu.memory_space<hbm>>
    %dma_wait3A_142 = arith.constant 0 : i32
    %dma_wait3A_143 = arith.constant 0 : i32
    %dma_wait3A_144 = tpu.memref_slice %arg12[%dma_wait3A_142, %dma_wait3A_143] : memref<200x128xf32, #tpu.memory_space<vmem>> -> memref<200x64xf32, #tpu.memory_space<vmem>>
    tpu.wait_dma2 semaphore(%dma_wait3A_139 : memref<!tpu.dma_semaphore, #tpu.memory_space<semaphore_mem>>) src(%dma_wait3A_144 : memref<200x64xf32, #tpu.memory_space<vmem>>) dst(%dma_wait3A_141 : memref<200x64xf32, #tpu.memory_space<hbm>>)
    return
  }
}

</mosaic_0001>

<sc_bundles>
// kernel: kernel.3.cloned.1.call-start
scs
__scs_entry_jumppad:
0x0: {  	(pc) =	sbr.rel $0x88, $3  }
0x1: {  	(tag) =	ssettag $0x0;
	lr =	simm.s32 $0x1  }
0x2: {  	[smem:$0x3F9F] =	sst lr;
	_ =	strace $0xD0000000  }
0x3: {  	_ = 	snop  }
0x4: {  	_ = 	snop  }
0x5: {  	_ = 	snop  }
0x6: {  	_ = 	snop  }
0x7: {  	_ = 	snop  }
__scs_overlays_trampoline_lowered:
0x8: {  	[smem:$0x3FAE] =	sst s0  }
0x9: {  	[smem:$0x3FAF] =	sst s1  }
0xa: {  	[smem:$0x3FB0] =	sst s2  }
0xb: {  	[smem:$0x3FB1] =	sst s3  }
0xc: {  	[smem:$0x3FB2] =	sst s4  }
0xd: {  	[smem:$0x3FB3] =	sst s5  }
0xe: {  	[smem:$0x3FB4] =	sst s6  }
0xf: {  	[smem:$0x3FB5] =	sst s7  }
0x10: {  	[smem:$0x3FB6] =	sst s8  }
0x11: {  	[smem:$0x3FB7] =	sst s9;
	s0 =	simm.s32 @!p0 $0x0  }
0x12: {  	s1 =	sld [smem:$0x3F9D];
	s0 =	simm.s32 @p0 $0x1  }
0x13: {  	[smem:$0x3FB8] =	sst s0;
	s0 =	simm.s32 @!p1 $0x0  }
0x14: {  	s2 =	sld [smem:$0x3F9C];
	s0 =	simm.s32 @p1 $0x1  }
0x15: {  	[smem:$0x3FB9] =	sst s0;
	s0 =	simm.s32 @!p2 $0x0  }
0x16: {  	s3 =	sld [smem:$0x3FDB];
	s0 =	simm.s32 @p2 $0x1  }
0x17: {  	s4 =	simm.s32 $0x1BF5;
	[smem:$0x3FBB] =	sst s0  }
0x18: {  	s0 =	sld [smem:$0x3F9E];
	_ =	swait.ge [sflag:s4], $0x0  }
0x19: {  	s7 =	sld [smem:$0x3F9F]  }
0x1a: {  	s8 =	sadd.s32 $0xFFFFE003, lr  }
0x1b: {  	s9 =	sadd.s32 $0xFFFFFEF7, lr;
	s5 =	simm.s32 $0xFFFFFFFF;
	p2 =	slt.u32 s8, $0xFFFFF086  }
0x1c: {  	p1 =	slt.u32 s9, $0xF7A;
	s5 =	simm.s32 @!p2 $0x0  }
0x1d: {  	s5 =	simm.s32 @p1 $0x1;
	p0 =	seq.s32 s7, s2  }
0x1e: {  	s7 =	smul.u32 @!p0 $0xF7A, s2;
	p2 =	seq.s32 @!p0 s5, $0x0  }
0x1f: {  	s9 =	smul.u32 $0xF7A, s1;
	s8 =	simm.s32 @!p0 $0x1BF5;
	p2 =	por !p2, p0  }
0x20: {  	[sflag:s8] =	ssyncset.s32 @!p0 $0xFFFFF086;
	s6 =	sadd.s32 @!p0 s3, s7;
	s7 =	simm.s32 @!p0 $0x108  }
0x21: {  	s3 =	sadd.s32 s3, s9;
	s6 =	sadd.s32 @!p0 $0x88, s6;
	s7 =	simm.s32 @p2 $0x1082  }
0x22: {  	[simem:s7], [sflag:s8] =	dma.local @!p0 [hbm:s6], $0xF7A  }
0x23: {  	s9 =	sor.u32 $0xD0000000, s2;
	s6 =	simm.s32 $0x108;
	_ =	swait.ge @!p0 [sflag:s8], $0x0  }
0x24: {  	s3 =	sadd.s32 $0x88, s3;
	s6 =	simm.s32 @!p1 $0x1082;
	[sflag:s4] =	ssyncset.s32 $0xFFFFF086  }
0x25: {  	[simem:s6], [sflag:s4] =	dma.local [hbm:s3], $0xF7A  }
0x26: {  	[smem:$0x3F9F] =	sst s1;
	(tag) =	ssettag s2;
	_ =	strace s9  }
0x27: {  	s1 =	sld [smem:$0x3FAF]  }
0x28: {  	s2 =	sld [smem:$0x3FB0]  }
0x29: {  	s4 =	sld [smem:$0x3FB2]  }
0x2a: {  	p0 =	seq.s32 s5, $0x0;
	s5 =	sld [smem:$0x3FB3]  }
0x2b: {  	s6 =	sld [smem:$0x3FB4]  }
0x2c: {  	s7 =	sld [smem:$0x3FB5]  }
0x2d: {  	s3 =	simm.s32 $0x108;
	s8 =	sld [smem:$0x3FB6]  }
0x2e: {  	s3 =	simm.s32 @!p0 $0x1082;
	s9 =	sld [smem:$0x3FB7]  }
0x2f: {  	lr =	sadd.s32 s0, s3;
	s0 =	sld [smem:$0x3FAE]  }
0x30: {  	s3 =	sld [smem:$0x3FB1]  }
0x31: {  	[smem:$0x3FBA] =	sst s10  }
0x32: {  	s10 =	sld [smem:$0x3FB8];
	_ =	sdelay $0x3  }
0x33: {  	p0 =	seq.s32 s10, $0x1;
	s10 =	sld [smem:$0x3FBA];
	_ =	sdelay $0x3  }
0x34: {  	[smem:$0x3FBA] =	sst s10  }
0x35: {  	s10 =	sld [smem:$0x3FB9];
	_ =	sdelay $0x3  }
0x36: {  	p1 =	seq.s32 s10, $0x1;
	s10 =	sld [smem:$0x3FBA];
	_ =	sdelay $0x3  }
0x37: {  	[smem:$0x3FBA] =	sst s10  }
0x38: {  	s10 =	sld [smem:$0x3FBB]  }
0x39: {  	_ = 	snop;
	(pc) =	sbr.ind lr, $3  }
0x3a: {  	_ = 	snop  }
0x3b: {  	_ = 	snop  }
0x3c: {  	p2 =	seq.s32 s10, $0x1;
	s10 =	sld [smem:$0x3FBA]  }
0x3d: {  	_ =	shalt  }
0x3e: {  	_ =	shalt  }
0x3f: {  	_ =	shalt  }
0x40: {  	_ =	shalt  }
0x41: {  	_ =	shalt  }
0x42: {  	_ =	shalt  }
0x43: {  	_ =	shalt  }
0x44: {  	_ =	shalt  }
0x45: {  	_ =	shalt  }
0x46: {  	_ =	shalt  }
0x47: {  	_ =	shalt  }
0x48: {  	_ =	shalt  }
0x49: {  	_ =	shalt  }
0x4a: {  	_ =	shalt  }
0x4b: {  	_ =	shalt  }
0x4c: {  	_ =	shalt  }
0x4d: {  	_ =	shalt  }
0x4e: {  	_ =	shalt  }
0x4f: {  	_ =	shalt  }
0x50: {  	_ =	shalt  }
0x51: {  	_ =	shalt  }
0x52: {  	_ =	shalt  }
0x53: {  	_ =	shalt  }
0x54: {  	_ =	shalt  }
0x55: {  	_ =	shalt  }
0x56: {  	_ =	shalt  }
0x57: {  	_ =	shalt  }
0x58: {  	_ =	shalt  }
0x59: {  	_ =	shalt  }
0x5a: {  	_ =	shalt  }
0x5b: {  	_ =	shalt  }
0x5c: {  	_ =	shalt  }
0x5d: {  	_ =	shalt  }
0x5e: {  	_ =	shalt  }
0x5f: {  	_ =	shalt  }
0x60: {  	_ =	shalt  }
0x61: {  	_ =	shalt  }
0x62: {  	_ =	shalt  }
0x63: {  	_ =	shalt  }
0x64: {  	_ =	shalt  }
0x65: {  	_ =	shalt  }
0x66: {  	_ =	shalt  }
0x67: {  	_ =	shalt  }
0x68: {  	_ =	shalt  }
0x69: {  	_ =	shalt  }
0x6a: {  	_ =	shalt  }
0x6b: {  	_ =	shalt  }
0x6c: {  	_ =	shalt  }
0x6d: {  	_ =	shalt  }
0x6e: {  	_ =	shalt  }
0x6f: {  	_ =	shalt  }
0x70: {  	_ =	shalt  }
0x71: {  	_ =	shalt  }
0x72: {  	_ =	shalt  }
0x73: {  	_ =	shalt  }
0x74: {  	_ =	shalt  }
0x75: {  	_ =	shalt  }
0x76: {  	_ =	shalt  }
0x77: {  	_ =	shalt  }
0x78: {  	_ =	shalt  }
0x79: {  	_ =	shalt  }
0x7a: {  	_ =	shalt  }
0x7b: {  	_ =	shalt  }
0x7c: {  	_ =	shalt  }
0x7d: {  	_ =	shalt  }
0x7e: {  	_ =	shalt  }
0x7f: {  	_ =	shalt  }
0x80: {  	_ =	shalt  }
0x81: {  	_ =	shalt  }
0x82: {  	_ =	shalt  }
0x83: {  	_ =	shalt  }
0x84: {  	_ =	shalt  }
0x85: {  	_ =	shalt  }
0x86: {  	_ =	shalt  }
0x87: {  	_ =	shalt  }
.Lfunc_end0:
.L_simem_size_0:
called_computation.1_lowered:
.L_overlay_start_0:
0x88: {  	s2 =	sld [smem:$0x3FD9]  }
0x89: {  	s3 =	sld [smem:$0x3FFE];
	_ =	sdelay $0x1  }
0x8a: {  	s1 =	srdreg.scid  }
0x8b: {  	s0 =	sand.u32 $0x1, s1  }
0x8c: {  	s17 =	sshll.u32 s0, $0xA;
	s2 =	sadd.s32 s3, s2  }
0x8d: {  	s2 =	sadd.s32 s2, s17  }
0x8e: {  	[smem:$0x3FC6] =	sst s2  }
0x8f: {  	_ = 	snop  }
0x90: {  	s2 =	sld [smem:$0x3FD0];
	(tm) =	ssettm $0x1  }
0x91: {  	s18 =	sld [smem:$0x3FFB];
	_ =	sdelay $0x3  }
0x92: {  	_ =	strace s18  }
0x93: {  	s3 =	sld [smem:$0x3FFC];
	_ =	sdelay $0x3  }
0x94: {  	_ =	strace s3  }
0x95: {  	s3 =	sld [smem:$0x3FFD];
	_ =	sdelay $0x3  }
0x96: {  	_ =	strace s3  }
0x97: {  	_ =	strace $0x8FFFFFFF  }
0x98: {  	s19 =	sld [smem:$0x3FDB];
	_ =	sdelay $0x1  }
0x99: {  	s4 =	simm.s32 $_scs_section_size  }
0x9a: {  	s5 =	simm.s32 $_size__tile_overlayer_lowered;
	s6 =	simm.s32 $_tile_overlayer_lowered  }
0x9b: {  	s22 =	simm.s32 $0x1BFF;
	s21 =	sshll.u32 s6, $0x1;
	s3 =	sadd.s32 s4, s19  }
0x9c: {  	s7 =	simm.s32 $0x0;
	s20 =	sshll.u32 s5, $0x1;
	s5 =	sadd.s32 s21, s3  }
0x9d: {  	[timem:s7], [sflag:s22] =	dma.local [hbm:s5], s20  }
0x9e: {  	_ =	swait.ge [sflag:s22], s20  }
0x9f: {  	s4 =	ssub.s32 $0x0, s20;
	[sflag:s22] =	ssyncset.done $0x0  }
0xa0: {  	[sflag:s22] =	ssyncadd.s32 s4;
	_ =	sdelay $0x1  }
0xa1: {  	s23 =	simm.s32 $0x1B8B  }
0xa2: {  	_ =	swait.ge [sflag:s23], $0x1  }
0xa3: {  	[sflag:s23] =	ssyncset.done $0x0  }
0xa4: {  	s25 =	simm.s32 $0x1B8E;
	s24 =	sld [smem:$0x3FFE];
	[sflag:s23] =	ssyncadd.s32 $0xFFFFFFFF  }
0xa5: {  	s26 =	simm.s32 $execute0_lowered;
	[smem:$0x3FD2] =	sst s25  }
0xa6: {  	s5 =	sshll.u32 s26, $0x1;
	_ =	strace $0x80000046;
	[dreg:$0x1] =	wrdreg $0xFFFFFFFF  }
0xa7: {  	s28 =	simm.s32 $_size_execute0_lowered;
	s3 =	sadd.s32 s3, s5;
	[dreg:$0x0] =	wrdreg $0x0  }
0xa8: {  	s5 =	sshll.u32 s28, $0x1;
	[dreg:$0x2] =	wrdreg s3  }
0xa9: {  	[dreg:$0x3] =	wrdreg s5  }
0xaa: {  	[dreg:$0x4] =	wrdreg $0xC0  }
0xab: {  	_ =	task [dreg:s7], $0x5FFFF  }
0xac: {  	[dreg:$0x1] =	wrdreg $0xFFFFFFFF  }
0xad: {  	[dreg:$0x0] =	wrdreg $0x60  }
0xae: {  	[dreg:$0x2] =	wrdreg s2  }
0xaf: {  	[dreg:$0x3] =	wrdreg s24  }
0xb0: {  	[dreg:$0x4] =	wrdreg $0x9  }
0xb1: {  	_ =	task.clear_ibuf [dreg:s7], $0x5FFFF;
	_ =	strace $0x90000046  }
0xb2: {  	s29 =	simm.s32 $0x9;
	_ =	strace $0x80000048  }
0xb3: {  	_ =	swait.ge [sflag:s29], $0x1  }
0xb4: {  	[sflag:s29] =	ssyncadd.s32 $0xFFFFFFFF  }
0xb5: {  	_ =	strace $0x90000048  }
0xb6: {  	_ =	sfence  }
0xb7: {  	s30 =	sld [smem:$0x0];
	_ =	sdelay $0x2  }
0xb8: {  	s31 =	sshll.u32 s1, $0xD;
	s1 =	sshrl.u32 s1, $0x2  }
0xb9: {  	s3 =	sand.u32 $0x4000, s31;
	s1 =	sadd.s32 s1, s30  }
0xba: {  	s0 =	sor.u32 s3, s0;
	s1 =	sshll.u32 s1, $0x11  }
0xbb: {  	s0 =	sor.u32 s1, s0  }
0xbc: {  	s0 =	sadd.s32 $0x8F2B, s0  }
0xbd: {  	[sflag:s0] =	ssyncadd.remote.s32 $0x1  }
0xbe: {  	_ =	sfence.sel $0xFFFF  }
0xbf: {  	[dreg:$0x0] =	wrdreg $0xFFFFFFFF;
	(pc) =	sbr.abs _section_cstart, $3  }
0xc0: {  	[dreg:$0x1] =	wrdreg $0xFFFFFFFF  }
0xc1: {  	_ =	task.clear_ibuf [dreg:s7], $0x2FFFF;
	_ =	strace $0x9FFFFFFF  }
0xc2: {  	(tm) =	ssettm $0x7FFFFFFF  }
0xc3: {  	_ =	shalt  }
tec
execute0_lowered:
.L_overlay_start_1:
0x0: {  	(tag) =	ssettag $0x1  }
0x1: {  	s2 =	rddreg [dreg:$0x0]  }
0x2: {  	s0 =	rddreg [dreg:$0x1]  }
0x3: {  	s1 =	srdreg.scid;
	s4 =	stileid.u32  }
0x4: {  	s3 =	simm.s32 $0x0;
	s29 =	simm.s32 $0x3;
	s31 =	simm.s32 $0x5  }
0x5: {  	s12 =	simm.s32 $0x7;
	s13 =	simm.s32 $0x8;
	s16 =	simm.s32 $0xA  }
0x6: {  	s10 =	simm.s32 $0x0;
	s1 =	sand.u32 $0x1, s1;
	s4 =	sshll.u32 s4, $0x1  }
0x7: {  	[smem:$0x7FF] =	sst s3;
	s5 =	sadd.s32 $0xF42E00, s0;
	s8 =	sor.u32 s1, s4  }
0x8: {  	s6 =	sadd.s32 $0xA00, s0;
	s19 =	ssub.s32 $0x2, s1;
	s4 =	smul.u32 $0x6400, s8  }
0x9: {  	_ =	strace $0x80000047;
	s1 =	sshrl.u32 s19, $0x1;
	s8 =	smul.u32 $0x64000, s8  }
0xa: {  	s0 =	ssub.s32 s19, s1;
	s9 =	sshrl.u32 s4, $0x3;
	s7 =	sor.u32 $0xC8, s4  }
0xb: {  	s22 =	sor.u32 $0x190, s4;
	s23 =	sor.u32 $0x258, s4;
	s25 =	sadd.s32 $0xFFFFFE70, s4  }
0xc: {  	s26 =	sadd.s32 $0xFFFFFF38, s4;
	s28 =	sor.u32 $0x320, s4;
	[dreg:$0x5] =	wrdreg s22  }
0xd: {  	s30 =	sadd.s32 s6, s8;
	s17 =	sor.u32 $0x3E8, s4;
	[dreg:$0x6] =	wrdreg s23  }
0xe: {  	s0 =	smax.u32 s0, $0x1;
	s20 =	sadd.s32 s2, s9;
	[dreg:$0x9] =	wrdreg s25  }
0xf: {  	s21 =	sshrl.u32 s7, $0x3;
	s9 =	sshrl.u32 s23, $0x3;
	[dreg:$0xa] =	wrdreg s26  }
0x10: {  	[dreg:$0xb] =	wrdreg s28;
	s18 =	sadd.s32 $0x62700, s30;
	s19 =	sadd.s32 $0x63380, s30  }
0x11: {  	[dreg:$0xc] =	wrdreg s0;
	s23 =	simm.s32 $0x258;
	s26 =	simm.s32 $0x2  }
0x12: {  	s0 =	simm.s32 $0x4;
	s25 =	simm.s32 $0xB;
	[dreg:$0x3] =	wrdreg s20  }
0x13: {  	s1 =	sadd.s32 s2, s21;
	s24 =	sadd.s32 s2, s9;
	s21 =	simm.s32 $0xC8  }
0x14: {  	s9 =	simm.s32 $0x6;
	[dreg:$0x4] =	wrdreg s1;
	s1 =	sshrl.u32 s22, $0x3  }
0x15: {  	s20 =	simm.s32 $0x9;
	[dreg:$0x8] =	wrdreg s24;
	s1 =	sadd.s32 s2, s1  }
0x16: {  	s24 =	simm.s32 $0x1;
	[dreg:$0x7] =	wrdreg s1;
	s1 =	simm.s32 $0xC  }
.LBB2_1:
0x17: {  	[dreg:$0xd] =	wrdreg s10  }
0x18: {  	s8 =	rddreg [dreg:$0x3]  }
0x19: {  	[tilespmem:s3], [sflag:$0x1] =	stream.linear.gather [hbm4b:s8+s3], $0xC8, $0x38;
	[tilespmem:$0x19320] =	vst v63  }
0x1a: {  	s14 =	rddreg [dreg:$0x4]  }
0x1b: {  	[tilespmem:s21], [sflag:$0x2] =	stream.linear.gather [hbm4b:s14+s3], $0xC8, $0x38;
	[tilespmem:$0x19320] =	vst v63  }
0x1c: {  	s15 =	rddreg [dreg:$0x7];
	s22 =	simm.s32 $0x190  }
0x1d: {  	[tilespmem:s22], [sflag:$0x3] =	stream.linear.gather [hbm4b:s15+s3], $0xC8, $0x38;
	[tilespmem:$0x19320] =	vst v63  }
0x1e: {  	s30 =	rddreg [dreg:$0x8];
	s28 =	simm.s32 $0x0  }
0x1f: {  	[tilespmem:s23], [sflag:$0x4] =	stream.linear.gather [hbm4b:s30+s3], $0xC8, $0x38;
	[tilespmem:$0x19320] =	vst v63  }
.LBB2_2:
0x20: {  	p0 =	seq.s32 s28, $0x0  }
.Ltmp0:
0x21: {  	_ = 	snop;
	(pc) =	sbr.rel @p0 .LBB2_6-.Ltmp0, $4  }
0x22: {  	_ = 	snop  }
0x23: {  	_ =	swait.ge [sflag:s24], $0xC8  }
0x24: {  	[sflag:s24] =	ssyncset.done $0x0  }
0x25: {  	s30 =	smul.u32 $0x320, s28;
	[sflag:s24] =	ssyncadd.s32 $0xFFFFFF38  }
0x26: {  	_ =	swait.ge [sflag:s20], $0x3200  }
0x27: {  	s8 =	simm.s32 $0x0;
	[sflag:s20] =	ssyncset.done $0x0  }
0x28: {  	s10 =	simm.s32 $0x320;
	s22 =	rddreg [dreg:$0x9];
	[sflag:s20] =	ssyncadd.s32 $0xFFFFCE00  }
0x29: {  	[tilespmem:s10], [sflag:$0x5] =	stream.indirect.gather [hbm4b:s5+s21], $0x80, s8, s21, $0xb8;
	[tilespmem:$0x19320] =	vst v63  }
0x2a: {  	s8 =	sadd.s32 s30, s22  }
0x2b: {  	s8 =	sshll.u32 s8, $0x4  }
0x2c: {  	s11 =	simm.s32 $0x10;
	_ =	swait.ge [sflag:s12], $0x6400;
	s8 =	sand.u32 $0x1FFFFF00, s8  }
0x2d: {  	s14 =	simm.s32 $0xCBA0;
	[sflag:s12] =	ssyncset.done $0x0;
	s8 =	sadd.s32 s6, s8  }
0x2e: {  	s10 =	simm.s32 $0xCB20;
	[sflag:s12] =	ssyncadd.s32 $0xFFFF9C00;
	s15 =	sadd.s32 $0x0, s8  }
.LBB2_4:
0x2f: {  	[hbm4b:s15+s3] =	stream.linear.scatter [tilespmem:s10], [sflag:$0xB], $0x40, $0x38;
	[tilespmem:$0x19320] =	vst v63  }
0x30: {  	s15 =	smov.u32 s11;
	s10 =	smov.u32 s14;
	p1 =	sne.s32 s11, $0xC70  }
.Ltmp1:
0x31: {  	s11 =	sadd.s32 $0x10, s11;
	(pc) =	sbr.rel @p1 .LBB2_4-.Ltmp1, $2  }
0x32: {  	_ =	sdelay $0x2  }
0x33: {  	s14 =	sadd.s32 $0x80, s14;
	s15 =	sadd.s32 s15, s8  }
0x34: {  	[hbm4b:s15+s3] =	stream.linear.scatter [tilespmem:s10], [sflag:$0xB], $0x40, $0x38;
	[tilespmem:$0x19320] =	vst v63  }
.Ltmp2:
0x35: {  	s8 =	rddreg [dreg:$0x5];
	(pc) =	sbr.rel .LBB2_7-.Ltmp2, $4  }
0x36: {  	s8 =	sadd.s32 s30, s8  }
0x37: {  	s8 =	sshrl.u32 s8, $0x3  }
0x38: {  	s22 =	simm.s32 $0x190;
	s8 =	sadd.s32 s2, s8  }
0x39: {  	[tilespmem:s22], [sflag:$0x3] =	stream.linear.gather [hbm4b:s8+s3], $0xC8, $0x38;
	[tilespmem:$0x19320] =	vst v63  }
.LBB2_6:
0x3a: {  	s8 =	simm.s32 $0x320  }
0x3b: {  	[tilespmem:s8], [sflag:$0x5] =	stream.indirect.gather [hbm4b:s5+s21], $0x80, s3, s21, $0xb8;
	[tilespmem:$0x19320] =	vst v63  }
.LBB2_7:
.Ltmp3:
0x3c: {  	(pc) =	sbr.rel @p0 .LBB2_11-.Ltmp3, $4  }
0x3d: {  	_ = 	snop  }
0x3e: {  	_ =	swait.ge [sflag:s26], $0xC8  }
0x3f: {  	[sflag:s26] =	ssyncset.done $0x0  }
0x40: {  	[sflag:s26] =	ssyncadd.s32 $0xFFFFFF38  }
0x41: {  	_ =	swait.ge [sflag:s16], $0x3200  }
0x42: {  	[sflag:s16] =	ssyncset.done $0x0  }
0x43: {  	s8 =	simm.s32 $0x6720;
	s22 =	rddreg [dreg:$0xa];
	[sflag:s16] =	ssyncadd.s32 $0xFFFFCE00  }
0x44: {  	[tilespmem:s8], [sflag:$0x6] =	stream.indirect.gather [hbm4b:s5+s21], $0x80, s21, s21, $0xb8;
	[tilespmem:$0x19320] =	vst v63  }
0x45: {  	s8 =	sadd.s32 s30, s22  }
0x46: {  	s8 =	sshll.u32 s8, $0x4  }
0x47: {  	s10 =	simm.s32 $0x12F20;
	_ =	swait.ge [sflag:s13], $0x6400;
	s8 =	sand.u32 $0x1FFFFF80, s8  }
0x48: {  	s11 =	simm.s32 $0x10;
	[sflag:s13] =	ssyncset.done $0x0;
	s8 =	sadd.s32 s6, s8  }
0x49: {  	s14 =	simm.s32 $0x12FA0;
	[sflag:s13] =	ssyncadd.s32 $0xFFFF9C00;
	s15 =	sadd.s32 $0x0, s8  }
.LBB2_9:
0x4a: {  	[hbm4b:s15+s3] =	stream.linear.scatter [tilespmem:s10], [sflag:$0xC], $0x40, $0x38;
	[tilespmem:$0x19320] =	vst v63  }
0x4b: {  	s15 =	smov.u32 s11;
	s10 =	smov.u32 s14;
	p1 =	sne.s32 s11, $0xC70  }
.Ltmp4:
0x4c: {  	s11 =	sadd.s32 $0x10, s11;
	(pc) =	sbr.rel @p1 .LBB2_9-.Ltmp4, $2  }
0x4d: {  	_ =	sdelay $0x2  }
0x4e: {  	s14 =	sadd.s32 $0x80, s14;
	s15 =	sadd.s32 s15, s8  }
0x4f: {  	[hbm4b:s15+s3] =	stream.linear.scatter [tilespmem:s10], [sflag:$0xC], $0x40, $0x38;
	[tilespmem:$0x19320] =	vst v63  }
0x50: {  	s8 =	rddreg [dreg:$0x6]  }
0x51: {  	s8 =	sadd.s32 s30, s8  }
0x52: {  	s8 =	sshrl.u32 s8, $0x3  }
0x53: {  	s8 =	sadd.s32 s2, s8  }
0x54: {  	[tilespmem:s23], [sflag:$0x4] =	stream.linear.gather [hbm4b:s8+s3], $0xC8, $0x38;
	[tilespmem:$0x19320] =	vst v63  }
0x55: {  	_ =	swait.ge [sflag:s29], $0xC8  }
.Ltmp5:
0x56: {  	[sflag:s29] =	ssyncset.done $0x0;
	(pc) =	sbr.rel .LBB2_12-.Ltmp5, $4  }
0x57: {  	[sflag:s29] =	ssyncadd.s32 $0xFFFFFF38  }
0x58: {  	_ =	swait.ge [sflag:s25], $0x3200  }
0x59: {  	[sflag:s25] =	ssyncset.done $0x0  }
0x5a: {  	[sflag:s25] =	ssyncadd.s32 $0xFFFFCE00  }
.LBB2_11:
0x5b: {  	s8 =	simm.s32 $0x6720  }
0x5c: {  	[tilespmem:s8], [sflag:$0x6] =	stream.indirect.gather [hbm4b:s5+s21], $0x80, s21, s21, $0xb8;
	[tilespmem:$0x19320] =	vst v63  }
0x5d: {  	_ =	swait.ge [sflag:s29], $0xC8  }
0x5e: {  	[sflag:s29] =	ssyncset.done $0x0  }
0x5f: {  	[sflag:s29] =	ssyncadd.s32 $0xFFFFFF38  }
.LBB2_12:
0x60: {  	s8 =	simm.s32 $0x190  }
0x61: {  	s10 =	simm.s32 $0xCB20;
	s22 =	sadd.s32 s4, s30;
	s11 =	simm.s32 $0x320  }
0x62: {  	[tilespmem:s10], [sflag:$0x7] =	stream.indirect.gather [hbm4b:s5+s21], $0x80, s8, s21, $0xb8;
	[tilespmem:$0x19320] =	vst v63  }
0x63: {  	s14 =	simm.s32 $0x10;
	s10 =	sshll.u32 s22, $0x4;
	_ =	swait.ge [sflag:s31], $0x6400  }
0x64: {  	s15 =	simm.s32 $0x3A0;
	s10 =	sadd.s32 s6, s10;
	[sflag:s31] =	ssyncset.done $0x0  }
0x65: {  	s8 =	sadd.s32 s30, s7;
	s22 =	sadd.s32 $0x0, s10;
	[sflag:s31] =	ssyncadd.s32 $0xFFFF9C00  }
.LBB2_13:
0x66: {  	[hbm4b:s22+s3] =	stream.linear.scatter [tilespmem:s11], [sflag:$0x9], $0x40, $0x38;
	[tilespmem:$0x19320] =	vst v63  }
0x67: {  	s22 =	smov.u32 s14;
	s11 =	smov.u32 s15;
	p1 =	sne.s32 s14, $0xC70  }
.Ltmp6:
0x68: {  	s14 =	sadd.s32 $0x10, s14;
	(pc) =	sbr.rel @p1 .LBB2_13-.Ltmp6, $2  }
0x69: {  	_ =	sdelay $0x2  }
0x6a: {  	s15 =	sadd.s32 $0x80, s15;
	s22 =	sadd.s32 s22, s10  }
0x6b: {  	p1 =	sne.s32 s28, $0x1F  }
.Ltmp7:
0x6c: {  	_ = 	snop;
	(pc) =	sbr.rel @p1 .LBB2_16-.Ltmp7, $2  }
0x6d: {  	_ =	sdelay $0x2  }
0x6e: {  	[hbm4b:s22+s3] =	stream.linear.scatter [tilespmem:s11], [sflag:$0x9], $0x40, $0x38;
	[tilespmem:$0x19320] =	vst v63  }
.Ltmp8:
0x6f: {  	(pc) =	sbr.rel .LBB2_17-.Ltmp8, $4  }
0x70: {  	_ = 	snop  }
0x71: {  	_ =	swait.ge [sflag:s0], $0xC8  }
0x72: {  	[sflag:s0] =	ssyncset.done $0x0  }
0x73: {  	[sflag:s0] =	ssyncadd.s32 $0xFFFFFF38  }
.LBB2_16:
0x74: {  	s10 =	rddreg [dreg:$0xb]  }
0x75: {  	s10 =	sadd.s32 s30, s10  }
0x76: {  	s10 =	sshrl.u32 s10, $0x3  }
.Ltmp9:
0x77: {  	s10 =	sadd.s32 s2, s10;
	(pc) =	sbr.rel @p0 .LBB2_18-.Ltmp9, $4  }
0x78: {  	[tilespmem:s3], [sflag:$0x1] =	stream.linear.gather [hbm4b:s10+s3], $0xC8, $0x38;
	[tilespmem:$0x19320] =	vst v63  }
0x79: {  	_ =	swait.ge [sflag:s0], $0xC8  }
0x7a: {  	[sflag:s0] =	ssyncset.done $0x0  }
0x7b: {  	[sflag:s0] =	ssyncadd.s32 $0xFFFFFF38  }
.LBB2_17:
0x7c: {  	_ =	swait.ge [sflag:s1], $0x3200  }
0x7d: {  	[sflag:s1] =	ssyncset.done $0x0  }
0x7e: {  	[sflag:s1] =	ssyncadd.s32 $0xFFFFCE00  }
.LBB2_18:
0x7f: {  	s10 =	simm.s32 $0x12F20;
	s8 =	sshll.u32 s8, $0x4  }
0x80: {  	[tilespmem:s10], [sflag:$0x8] =	stream.indirect.gather [hbm4b:s5+s21], $0x80, s23, s21, $0xb8;
	[tilespmem:$0x19320] =	vst v63  }
0x81: {  	s11 =	simm.s32 $0x10;
	s8 =	sand.u32 $0x1FFFFE80, s8;
	_ =	swait.ge [sflag:s9], $0x6400  }
0x82: {  	s14 =	simm.s32 $0x67A0;
	s8 =	sadd.s32 s6, s8;
	[sflag:s9] =	ssyncset.done $0x0  }
0x83: {  	s10 =	simm.s32 $0x6720;
	s15 =	sadd.s32 $0x0, s8;
	[sflag:s9] =	ssyncadd.s32 $0xFFFF9C00  }
.LBB2_19:
0x84: {  	[hbm4b:s15+s3] =	stream.linear.scatter [tilespmem:s10], [sflag:$0xA], $0x40, $0x38;
	[tilespmem:$0x19320] =	vst v63  }
0x85: {  	s15 =	smov.u32 s11;
	s10 =	smov.u32 s14;
	p0 =	sne.s32 s11, $0xC70  }
.Ltmp10:
0x86: {  	s11 =	sadd.s32 $0x10, s11;
	(pc) =	sbr.rel @p0 .LBB2_19-.Ltmp10, $2  }
0x87: {  	_ =	sdelay $0x2  }
0x88: {  	s14 =	sadd.s32 $0x80, s14;
	s15 =	sadd.s32 s15, s8  }
0x89: {  	p0 =	seq.s32 s28, $0x1F  }
.Ltmp11:
0x8a: {  	_ = 	snop;
	(pc) =	sbr.rel @p0 .LBB2_22-.Ltmp11, $2  }
0x8b: {  	_ =	sdelay $0x2  }
0x8c: {  	[hbm4b:s15+s3] =	stream.linear.scatter [tilespmem:s10], [sflag:$0xA], $0x40, $0x38;
	[tilespmem:$0x19320] =	vst v63  }
.Ltmp12:
0x8d: {  	(pc) =	sbr.rel .LBB2_2-.Ltmp12, $4  }
0x8e: {  	s8 =	sadd.s32 s30, s17  }
0x8f: {  	s8 =	sshrl.u32 s8, $0x3  }
0x90: {  	s28 =	sadd.s32 $0x1, s28;
	s8 =	sadd.s32 s2, s8  }
0x91: {  	[tilespmem:s21], [sflag:$0x2] =	stream.linear.gather [hbm4b:s8+s3], $0xC8, $0x38;
	[tilespmem:$0x19320] =	vst v63  }
.LBB2_22:
0x92: {  	_ =	swait.ge [sflag:s12], $0x6400  }
0x93: {  	s8 =	simm.s32 $0xCB20;
	s10 =	simm.s32 $0x10;
	[sflag:s12] =	ssyncset.done $0x0  }
0x94: {  	s14 =	sadd.s32 $0x0, s18;
	s11 =	simm.s32 $0xCBA0;
	[sflag:s12] =	ssyncadd.s32 $0xFFFF9C00  }
.LBB2_23:
0x95: {  	[hbm4b:s14+s3] =	stream.linear.scatter [tilespmem:s8], [sflag:$0xB], $0x40, $0x38;
	[tilespmem:$0x19320] =	vst v63  }
0x96: {  	s14 =	smov.u32 s10;
	s8 =	smov.u32 s11;
	p0 =	sne.s32 s10, $0xC70  }
.Ltmp13:
0x97: {  	s10 =	sadd.s32 $0x10, s10;
	(pc) =	sbr.rel @p0 .LBB2_23-.Ltmp13, $2  }
0x98: {  	_ =	sdelay $0x2  }
0x99: {  	s11 =	sadd.s32 $0x80, s11;
	s14 =	sadd.s32 s14, s18  }
0x9a: {  	[hbm4b:s14+s3] =	stream.linear.scatter [tilespmem:s8], [sflag:$0xB], $0x40, $0x38;
	[tilespmem:$0x19320] =	vst v63  }
0x9b: {  	_ =	swait.ge [sflag:s13], $0x6400  }
0x9c: {  	s8 =	simm.s32 $0x12F20;
	s10 =	simm.s32 $0x10;
	[sflag:s13] =	ssyncset.done $0x0  }
0x9d: {  	s14 =	sadd.s32 $0x0, s19;
	s11 =	simm.s32 $0x12FA0;
	[sflag:s13] =	ssyncadd.s32 $0xFFFF9C00  }
.LBB2_25:
0x9e: {  	[hbm4b:s14+s3] =	stream.linear.scatter [tilespmem:s8], [sflag:$0xC], $0x40, $0x38;
	[tilespmem:$0x19320] =	vst v63  }
0x9f: {  	s14 =	smov.u32 s10;
	s8 =	smov.u32 s11;
	p0 =	sne.s32 s10, $0xC70  }
.Ltmp14:
0xa0: {  	s10 =	sadd.s32 $0x10, s10;
	(pc) =	sbr.rel @p0 .LBB2_25-.Ltmp14, $2  }
0xa1: {  	_ =	sdelay $0x2  }
0xa2: {  	s11 =	sadd.s32 $0x80, s11;
	s14 =	sadd.s32 s14, s19  }
0xa3: {  	[hbm4b:s14+s3] =	stream.linear.scatter [tilespmem:s8], [sflag:$0xC], $0x40, $0x38;
	[tilespmem:$0x19320] =	vst v63  }
0xa4: {  	_ =	swait.ge [sflag:s20], $0x3200  }
0xa5: {  	[sflag:s20] =	ssyncset.done $0x0  }
0xa6: {  	[sflag:s20] =	ssyncadd.s32 $0xFFFFCE00  }
0xa7: {  	_ =	swait.ge [sflag:s16], $0x3200  }
0xa8: {  	[sflag:s16] =	ssyncset.done $0x0  }
0xa9: {  	[sflag:s16] =	ssyncadd.s32 $0xFFFFCE00  }
0xaa: {  	_ =	swait.ge [sflag:s25], $0x3200  }
0xab: {  	[sflag:s25] =	ssyncset.done $0x0  }
0xac: {  	[sflag:s25] =	ssyncadd.s32 $0xFFFFCE00  }
0xad: {  	_ =	swait.ge [sflag:s1], $0x3200  }
0xae: {  	s10 =	rddreg [dreg:$0xd]  }
0xaf: {  	s30 =	rddreg [dreg:$0xc];
	s10 =	sadd.s32 $0x1, s10  }
0xb0: {  	p0 =	sne.s32 s10, s30  }
.Ltmp15:
0xb1: {  	_ = 	snop;
	(pc) =	sbr.rel @p0 .LBB2_1-.Ltmp15, $3  }
0xb2: {  	_ =	sdelay $0x1  }
0xb3: {  	[sflag:s1] =	ssyncset.done $0x0  }
0xb4: {  	[sflag:s1] =	ssyncadd.s32 $0xFFFFCE00  }
0xb5: {  	_ =	sfence.sel $0x180000  }
0xb6: {  	[bflag:$0x0] =	sbarrier.arrive $0xFFFF  }
0xb7: {  	_ =	strace $0x90000047  }
0xb8: {  	s0 =	stileid.u32;
	[bflag:$0x2] =	sbarrier.arrive $0xFFFF  }
0xb9: {  	p0 =	sne.s32 s0, $0x0;
	s0 =	rddreg [dreg:$0x2]  }
0xba: {  	s0 =	sadd.s32 @!p0 $0x100000, s0  }
0xbb: {  	[sflag:s0] =	ssyncadd.tile.s32 @!p0 $0x1;
	_ =	shalt  }
.Lfunc_end2:
_tile_overlayer_lowered:
.L_overlay_start_2:
0xbc: {  	(tag) =	ssettag $0x2  }
0xbd: {  	s0 =	rddreg [dreg:$0x0];
	s2 =	stileid.u32  }
0xbe: {  	s1 =	rddreg [dreg:$0x1];
	p0 =	sne.s32 s2, $0x0  }
0xbf: {  	s3 =	rddreg [dreg:$0x2];
	[bflag:$0x3] =	sbarrier.arrive $0xFFFF;
	s2 =	simm.s32 @!p0 $0x1C0D  }
0xc0: {  	[timem:s3], [sflag:s2] =	dma.local @!p0 [hbm:s0], s1  }
0xc1: {  	s0 =	simm.s32 @!p0 $0xD  }
0xc2: {  	_ =	swait.ge @!p0 [sflag:s0], s1  }
0xc3: {  	s1 =	ssub.s32 @!p0 $0x0, s1;
	[sflag:s0] =	ssyncset.done @!p0 $0x0  }
0xc4: {  	[sflag:s0] =	ssyncadd.s32 @!p0 s1  }
0xc5: {  	[bflag:$0x3] =	sbarrier.arrive $0xFFFF  }
0xc6: {  	_ =	shalt  }

// kernel: sparse-core-data-format-call.cloned.1.call-start
scs
called_computation_lowered:
.L_overlay_start_0:
0x0: {  	s2 =	sld [smem:$0x3FD9]  }
0x1: {  	s3 =	sld [smem:$0x3FFE];
	_ =	sdelay $0x1  }
0x2: {  	s1 =	srdreg.scid  }
0x3: {  	s0 =	sand.u32 $0x1, s1  }
0x4: {  	s18 =	sshll.u32 s0, $0xA;
	s2 =	sadd.s32 s3, s2  }
0x5: {  	s2 =	sadd.s32 s2, s18  }
0x6: {  	[smem:$0x3FC6] =	sst s2  }
0x7: {  	_ = 	snop  }
0x8: {  	s2 =	sld [smem:$0x3FD0];
	(tm) =	ssettm $0x1  }
0x9: {  	s19 =	sld [smem:$0x3FFB];
	_ =	sdelay $0x3  }
0xa: {  	_ =	strace s19  }
0xb: {  	s3 =	sld [smem:$0x3FFC];
	_ =	sdelay $0x3  }
0xc: {  	_ =	strace s3  }
0xd: {  	s3 =	sld [smem:$0x3FFD];
	_ =	sdelay $0x3  }
0xe: {  	_ =	strace s3  }
0xf: {  	_ =	strace $0x8FFFFFFF  }
0x10: {  	s20 =	sld [smem:$0x3FDB];
	_ =	sdelay $0x1  }
0x11: {  	s4 =	simm.s32 $_scs_section_size  }
0x12: {  	s5 =	simm.s32 $_size__tile_overlayer_lowered;
	s6 =	simm.s32 $_tile_overlayer_lowered  }
0x13: {  	s23 =	simm.s32 $0x1BFF;
	s22 =	sshll.u32 s6, $0x1;
	s3 =	sadd.s32 s4, s20  }
0x14: {  	s7 =	simm.s32 $0x0;
	s21 =	sshll.u32 s5, $0x1;
	s5 =	sadd.s32 s22, s3  }
0x15: {  	[timem:s7], [sflag:s23] =	dma.local [hbm:s5], s21  }
0x16: {  	_ =	swait.ge [sflag:s23], s21  }
0x17: {  	s4 =	ssub.s32 $0x0, s21;
	[sflag:s23] =	ssyncset.done $0x0  }
0x18: {  	[sflag:s23] =	ssyncadd.s32 s4;
	_ =	sdelay $0x1  }
0x19: {  	s24 =	simm.s32 $0x1B8B  }
0x1a: {  	_ =	swait.ge [sflag:s24], $0x1  }
0x1b: {  	[sflag:s24] =	ssyncset.done $0x0  }
0x1c: {  	s26 =	simm.s32 $0x1B8E;
	s25 =	sld [smem:$0x3FFE];
	[sflag:s24] =	ssyncadd.s32 $0xFFFFFFFF  }
0x1d: {  	s27 =	simm.s32 $execute0_lowered;
	[smem:$0x3FD2] =	sst s26  }
0x1e: {  	s5 =	sshll.u32 s27, $0x1;
	_ =	strace $0x80000049;
	[dreg:$0x1] =	wrdreg $0xFFFFFFFF  }
0x1f: {  	s28 =	simm.s32 $_size_execute0_lowered;
	s3 =	sadd.s32 s3, s5;
	[dreg:$0x0] =	wrdreg $0x0  }
0x20: {  	s5 =	sshll.u32 s28, $0x1;
	[dreg:$0x2] =	wrdreg s3  }
0x21: {  	[dreg:$0x3] =	wrdreg s5  }
0x22: {  	[dreg:$0x4] =	wrdreg $0xC0  }
0x23: {  	_ =	task [dreg:s7], $0x5FFFF  }
0x24: {  	[dreg:$0x1] =	wrdreg $0xFFFFFFFF  }
0x25: {  	[dreg:$0x0] =	wrdreg $0x60  }
0x26: {  	[dreg:$0x2] =	wrdreg s25  }
0x27: {  	[dreg:$0x3] =	wrdreg s2  }
0x28: {  	[dreg:$0x4] =	wrdreg $0x9  }
0x29: {  	_ =	task.clear_ibuf [dreg:s7], $0x5FFFF;
	_ =	strace $0x90000049  }
0x2a: {  	s29 =	simm.s32 $0x9;
	_ =	strace $0x8000004B  }
0x2b: {  	_ =	swait.ge [sflag:s29], $0x1  }
0x2c: {  	[sflag:s29] =	ssyncadd.s32 $0xFFFFFFFF  }
0x2d: {  	_ =	strace $0x9000004B  }
0x2e: {  	_ =	sfence  }
0x2f: {  	s30 =	sld [smem:$0x0];
	_ =	sdelay $0x2  }
0x30: {  	s31 =	sshll.u32 s1, $0xD;
	s1 =	sshrl.u32 s1, $0x2  }
0x31: {  	s3 =	sand.u32 $0x4000, s31;
	s1 =	sadd.s32 s1, s30  }
0x32: {  	s0 =	sor.u32 s3, s0;
	s1 =	sshll.u32 s1, $0x11  }
0x33: {  	s0 =	sor.u32 s1, s0  }
0x34: {  	s0 =	sadd.s32 $0x8F2B, s0  }
0x35: {  	[sflag:s0] =	ssyncadd.remote.s32 $0x1  }
0x36: {  	_ =	sfence.sel $0xFFFF  }
0x37: {  	[dreg:$0x0] =	wrdreg $0xFFFFFFFF;
	(pc) =	sbr.abs _section_cstart, $3  }
0x38: {  	[dreg:$0x1] =	wrdreg $0xFFFFFFFF  }
0x39: {  	_ =	task.clear_ibuf [dreg:s7], $0x2FFFF;
	_ =	strace $0x9FFFFFFF  }
0x3a: {  	(tm) =	ssettm $0x7FFFFFFF  }
0x3b: {  	_ =	shalt  }
tec
execute0_lowered:
.L_overlay_start_1:
0x0: {  	(tag) =	ssettag $0x1  }
0x1: {  	s0 =	srdreg.scid  }
0x2: {  	s1 =	sshll.u32 s0, $0x4  }
0x3: {  	s0 =	stileid.u32;
	s1 =	sand.u32 $0x10, s1  }
0x4: {  	s1 =	sor.u32 s0, s1  }
0x5: {  	s6 =	rddreg [dreg:$0x0];
	s4 =	simm.s32 $0x1;
	s2 =	sshll.u32 s1, $0x7  }
0x6: {  	s7 =	simm.s32 $0x2;
	s12 =	simm.s32 $0x0;
	s1 =	ssub.s32 $0x1000, s2  }
0x7: {  	s8 =	simm.s32 $0x8000;
	s13 =	simm.s32 $0x0;
	s3 =	sand.u32 $0xF80, s1  }
0x8: {  	s9 =	simm.s32 $0x0;
	s5 =	sshrl.u32 s1, $0xC;
	p0 =	sne.s32 s3, $0x0  }
.Ltmp0:
0x9: {  	s1 =	rddreg [dreg:$0x2];
	s4 =	simm.s32 @!p0 $0x0;
	(pc) =	sbr.rel .LBB1_1-.Ltmp0, $4  }
0xa: {  	s11 =	simm.s32 $0x0;
	s3 =	rddreg [dreg:$0x1];
	s5 =	sadd.s32 s4, s5  }
0xb: {  	_ =	strace $0x8000004A;
	s4 =	simm.s32 $0x1;
	s5 =	smul.u32 $0xC8, s5  }
0xc: {  	s6 =	sadd.s32 $0xA00, s6;
	s10 =	smov.u32 s2;
	[sflag:s4] =	ssyncpa.u1 $0x0  }
0xd: {  	p0 =	por $0x0, $0x0;
	[sflag:s7] =	ssyncpa.u1 $0x0;
	s7 =	sor.u32 $0x1, s5  }
.LBB1_4:
0xe: {  	s16 =	sshll.u32 s13, $0x3;
	s17 =	sand.u32 $0x78, s13  }
0xf: {  	s30 =	sand.u32 $0x7E00, s13;
	s12 =	sshll.u32 s12, $0xF;
	s16 =	sand.u32 $0xC00, s16  }
0x10: {  	[tilespmem:s15+$0x810 ss:$0x81] =	vst.msk $0xffff, v2;
	s31 =	sand.u32 $0x7, s13;
	s16 =	sor.u32 s17, s16;
	s17 =	sadd.s32 s3, s30  }
0x11: {  	[tilespmem:s15+$0x1020 ss:$0x81] =	vst.msk $0xffff, v0;
	s13 =	sshll.u32 s31, $0x12;
	s12 =	sadd.s32 s12, s17;
	s16 =	sshrl.u32 s16, $0x3  }
0x12: {  	[tilespmem:s15+$0x0 ss:$0x81] =	vst.msk $0xffff, v1;
	s13 =	sor.u32 $0x400, s13;
	s12 =	sadd.s32 s16, s12  }
0x13: {  	[hbm4b:s12+s13] =	stream.strided.scatter [tilespmem:s14], [sflag:$0x2], $0x2000, s8, s13, $0x20;
	[tilespmem:$0x8080] =	vst v63  }
.LBB1_5:
0x14: {  	s14 =	sadd.s32 $0x1, s9  }
0x15: {  	s12 =	sadd.s32 $0x1000, s10;
	s16 =	smov.u32 s10;
	p2 =	sgt.s32 s14, $0xC7  }
0x16: {  	s16 =	smov.u32 @p2 s12  }
0x17: {  	s14 =	simm.s32 @p2 $0x0;
	p2 =	sgt.s32 s16, $0xFFF  }
0x18: {  	s16 =	smov.u32 @p2 s2;
	p2 =	sne.s32 s11, s7  }
.Ltmp1:
0x19: {  	p1 =	slt.u32 s11, $0x2;
	(pc) =	sbr.rel @!p2 .LBB1_6-.Ltmp1, $4  }
0x1a: {  	s15 =	simm.s32 @!p1 $0x2  }
0x1b: {  	s13 =	smov.u32 s10;
	p0 =	por !p0, !p0;
	_ =	swait.ge @!p1 [sflag:s15], $0x2000  }
0x1c: {  	s12 =	smov.u32 s9;
	[sflag:s15] =	ssyncset.done @!p1 $0x0;
	s9 =	smov.u32 s14  }
0x1d: {  	s11 =	sadd.s32 $0x1, s11;
	[sflag:s15] =	ssyncadd.s32 @!p1 $0xFFFFE000;
	s10 =	smov.u32 s16  }
.LBB1_1:
0x1e: {  	p1 =	sge.u32 s11, s5  }
0x1f: {  	s14 =	sand.u32 @!p1 $0x1FFFFFF, s9  }
0x20: {  	s15 =	smulhi.u32 @!p1 $0x147AE15, s14;
	_ =	sdelay $0x1  }
0x21: {  	s15 =	smul.u32 @!p1 $0xC8, s15  }
0x22: {  	s16 =	sxor.u32 @!p1 $0xFFFFFFFF, s11;
	s17 =	smul.u32 @!p1 $0xC80, s10  }
0x23: {  	s31 =	sadd.s32 $0xFFFFFFFF, s11;
	s16 =	sshll.u32 @!p1 s16, $0xD;
	s14 =	ssub.s32 @!p1 s14, s15  }
0x24: {  	s15 =	sand.u32 @!p1 $0x2000, s16;
	s16 =	sadd.s32 @!p1 s6, s17;
	s14 =	sshll.u32 @!p1 s14, $0x4  }
0x25: {  	s17 =	simm.s32 @!p1 $0x6400;
	s14 =	sadd.s32 @!p1 s14, s16;
	s16 =	simm.s32 @!p1 $0x40  }
0x26: {  	[tilespmem:s15], [sflag:$0x1] =	stream.strided.gather @!p1 [hbm4b:s14+s16], $0x2000, s17, s16, $0x38;
	[tilespmem:$0x8080] =	vst v63  }
0x27: {  	p1 =	sge.u32 s31, s5  }
.Ltmp2:
0x28: {  	_ = 	snop;
	(pc) =	sbr.rel @p1 .LBB1_5-.Ltmp2, $1  }
0x29: {  	_ =	sdelay $0x3  }
0x2a: {  	s14 =	simm.s32 $0x1  }
0x2b: {  	_ =	swait.ge [sflag:s4], $0x2000;
	s14 =	simm.s32 @!p0 $0x0  }
0x2c: {  	[sflag:s4] =	ssyncset.done $0x0;
	s15 =	sshll.u32 s14, $0xD  }
0x2d: {  	[sflag:s4] =	ssyncadd.s32 $0xFFFFE000;
	s18 =	sor.u32 $0x20, s15  }
0x2e: {  	s14 =	smul.u32 $0x8100, s14;
	v3 =	vld [tilespmem:s18+$0x10]  }
0x2f: {  	s30 =	sand.u32 $0x1, s11;
	v2 =	vld [tilespmem:s18+$0xFFFFFFF0]  }
0x30: {  	s15 =	smul.u32 $0x8100, s30;
	s14 =	sshrl.u32 s14, $0x2;
	v0 =	vld [tilespmem:s18+$0x0]  }
0x31: {  	v1 =	vld [tilespmem:s18+$0xFFFFFFE0];
	s16 =	sor.u32 $0x4000, s14  }
0x32: {  	s31 =	sshrl.u32 s15, $0x2;
	s15 =	sadd.s32 $0x0, s16  }
0x33: {  	s17 =	simm.s32 $0x4;
	s18 =	sadd.s32 $0x40, s18;
	s14 =	sor.u32 $0x4000, s31;
	[tilespmem:s15+$0x1830 ss:$0x81] =	vst.msk $0xffff, v3  }
.LBB1_3:
0x34: {  	v3 =	vld [tilespmem:s18+$0x10];
	p1 =	sne.s32 s17, $0x1FC;
	[tilespmem:s15+$0x810 ss:$0x81] =	vst.msk $0xffff, v2;
	s19 =	smov.u32 s17;
	s17 =	sadd.s32 $0x4, s17  }
.Ltmp3:
0x35: {  	v2 =	vld [tilespmem:s18+$0xFFFFFFF0];
	[tilespmem:s15+$0x1020 ss:$0x81] =	vst.msk $0xffff, v0;
	(pc) =	sbr.rel @p1 .LBB1_3-.Ltmp3, $4  }
0x36: {  	v0 =	vld [tilespmem:s18+$0x0];
	[tilespmem:s15+$0x0 ss:$0x81] =	vst.msk $0xffff, v1  }
0x37: {  	s15 =	sshra.s32 s19, $0x2;
	v1 =	vld [tilespmem:s18+$0xFFFFFFE0]  }
0x38: {  	s15 =	sadd.s32 s15, s16  }
0x39: {  	s18 =	sadd.s32 $0x40, s18;
	[tilespmem:s15+$0x1830 ss:$0x81] =	vst.msk $0xffff, v3  }
.Ltmp4:
0x3a: {  	_ = 	snop;
	(pc) =	sbr.rel .LBB1_4-.Ltmp4, $1  }
0x3b: {  	_ =	sdelay $0x3  }
.LBB1_6:
0x3c: {  	_ =	sfence.sel $0x180000  }
0x3d: {  	s2 =	simm.s32 $0x1;
	[bflag:$0x0] =	sbarrier.arrive $0xFFFF  }
0x3e: {  	s31 =	simm.s32 $0x2;
	[sflag:s2] =	ssyncpa.u1 $0x1  }
0x3f: {  	[sflag:s31] =	ssyncpa.u1 $0x1  }
0x40: {  	p0 =	sne.s32 s0, $0x0;
	_ =	strace $0x9000004A  }
0x41: {  	s0 =	sadd.s32 @!p0 $0x100000, s1;
	[bflag:$0x2] =	sbarrier.arrive $0xFFFF  }
0x42: {  	[sflag:s0] =	ssyncadd.tile.s32 @!p0 $0x1;
	_ =	shalt  }
.Lfunc_end1:
_tile_overlayer_lowered:
.L_overlay_start_2:
0x43: {  	(tag) =	ssettag $0x2  }
0x44: {  	s0 =	rddreg [dreg:$0x0];
	s2 =	stileid.u32  }
0x45: {  	s1 =	rddreg [dreg:$0x1];
	p0 =	sne.s32 s2, $0x0  }
0x46: {  	s3 =	rddreg [dreg:$0x2];
	[bflag:$0x3] =	sbarrier.arrive $0xFFFF;
	s2 =	simm.s32 @!p0 $0x1C01  }
0x47: {  	[timem:s3], [sflag:s2] =	dma.local @!p0 [hbm:s0], s1  }
0x48: {  	s0 =	simm.s32 @!p0 $0x1  }
0x49: {  	_ =	swait.ge @!p0 [sflag:s0], s1  }
0x4a: {  	s1 =	ssub.s32 @!p0 $0x0, s1;
	[sflag:s0] =	ssyncset.done @!p0 $0x0  }
0x4b: {  	[sflag:s0] =	ssyncadd.s32 @!p0 s1  }
0x4c: {  	[bflag:$0x3] =	sbarrier.arrive $0xFFFF  }
0x4d: {  	_ =	shalt  }

</sc_bundles>
